<compile_context>
chip_gen: v7x
topology: tpu7x:2x2x1
jax: 0.10.2.dev20260603
libtpu: 0.0.44.dev20260713+nightly
codegen_flags: <defaults>
</compile_context>

<pallas_src>
import functools

import jax
import jax.numpy as jnp
import numpy as np
from jax import lax
from jax.experimental import pallas as pl
from jax.experimental.pallas import tpu as pltpu
from jax.experimental.pallas import tpu_sc as plsc

_T = 32
_TAU = 10.0
_EPS = 1e-7
_B = 1024
_I = 1024
_NW = 32
_ROWS = _B // _NW
_GRP = _I // 16

_jj = np.arange(1, _T, dtype=np.float64)
_ss = np.exp(-_jj / _TAU) - _EPS
_D = np.log(_ss / (1.0 - _ss)).astype(np.float32)

_LO = np.float32(-3.25)
_INVH = np.float32(16.0)
_N = 128
_cells = [int(np.trunc((d - _LO) * _INVH)) for d in _D]
assert len(set(_cells)) == len(_cells) and min(_cells) > 0 and max(_cells) < _N - 1
_A = np.zeros(_N, np.int32)
_R = np.full(_N, np.inf, np.float32)
for _c in range(_N):
    _cnt = sum(1 for cc in _cells if cc > _c)
    if _c in _cells:
        _A[_c] = _cnt
        _R[_c] = _D[_cells.index(_c)]
    else:
        _A[_c] = _cnt - 1


def _worker_id():
    return lax.axis_index("s") * 2 + lax.axis_index("c")


def _sc_body(x_hbm, zeros_hbm, a_hbm, r_hbm, out_hbm,
             xblk, a_v, r_v, buf0, buf1, idx0, idx1, sem0, sem1):
    base = _worker_id() * _ROWS
    pltpu.sync_copy(a_hbm, a_v)
    pltpu.sync_copy(r_hbm, r_v)
    pltpu.sync_copy(x_hbm.at[pl.ds(base, _ROWS)], xblk)
    pltpu.async_copy(zeros_hbm, buf0, sem0)
    pltpu.async_copy(zeros_hbm, buf1, sem1)

    lane = lax.iota(jnp.int32, 16)
    ones16 = jnp.full((16,), 1.0, jnp.float32)
    zeros16 = jnp.zeros((16,), jnp.float32)
    zeros16i = jnp.zeros((16,), jnp.int32)

    def init_idx(g, _):
        idx0[pl.ds(g * 16, 16)] = zeros16i
        idx1[pl.ds(g * 16, 16)] = zeros16i
        return 0

    lax.fori_loop(0, _GRP, init_idx, 0, unroll=8)

    def do_row(r, buf, idx, sem):
        b = base + r
        pltpu.make_async_copy(zeros_hbm, buf, sem).wait()

        def group(g, _):
            i_vec = g * 16 + lane
            t_prev = idx[pl.ds(g * 16, 16)]
            plsc.store_scatter(buf, [t_prev, i_vec], zeros16)
            xv = xblk[r, pl.ds(g * 16, 16)]
            ci = ((xv - _LO) * _INVH).astype(jnp.int32)
            ci = jnp.minimum(jnp.maximum(ci, 0), _N - 1)
            a = plsc.load_gather(a_v, [ci])
            rr = plsc.load_gather(r_v, [ci])
            t = a + (xv <= rr).astype(jnp.int32)
            idx[pl.ds(g * 16, 16)] = t
            plsc.store_scatter(buf, [t, i_vec], ones16)
            return 0

        lax.fori_loop(0, _GRP, group, 0, unroll=4)
        pltpu.async_copy(buf, out_hbm.at[b], sem)

    def pair(k, _):
        do_row(2 * k, buf0, idx0, sem0)
        do_row(2 * k + 1, buf1, idx1, sem1)
        return 0

    lax.fori_loop(0, _ROWS // 2, pair, 0)
    pltpu.make_async_copy(zeros_hbm, buf0, sem0).wait()
    pltpu.make_async_copy(zeros_hbm, buf1, sem1).wait()


@jax.jit
def kernel(x):
    mesh = plsc.VectorSubcoreMesh(core_axis_name="c", subcore_axis_name="s")
    sc = functools.partial(
        pl.kernel,
        mesh=mesh,
        out_type=jax.ShapeDtypeStruct((_B, _T, _I), jnp.float32),
        scratch_types=[
            pltpu.VMEM((_ROWS, _I), jnp.float32),
            pltpu.VMEM((_N,), jnp.int32),
            pltpu.VMEM((_N,), jnp.float32),
            pltpu.VMEM((_T, _I), jnp.float32),
            pltpu.VMEM((_T, _I), jnp.float32),
            pltpu.VMEM((_GRP * 16,), jnp.int32),
            pltpu.VMEM((_GRP * 16,), jnp.int32),
            pltpu.SemaphoreType.DMA,
            pltpu.SemaphoreType.DMA,
        ],
        compiler_params=pltpu.CompilerParams(
            use_tc_tiling_on_sc=True, needs_layout_passes=False
        ),
    )(_sc_body)
    zeros_plane = jnp.zeros((_T, _I), jnp.float32)
    return sc(x, zeros_plane, jnp.asarray(_A), jnp.asarray(_R))

# --- scband reference (transcript-rebuilt; emitter-appended) ---
"""Pipeline reference for scband-latency-encoder-72885595013562 (READ-ONLY COPY).

The authoritative reference and input builder live on the scoring server;
editing this copy changes nothing except your own understanding.
"""

import jax, jax.numpy as jnp
import numpy as np

TIME_STEPS = 32
TAU = 10.0

def setup_inputs(seed: int = 0) -> dict:
    key = jax.random.key(seed)
    x = jax.random.normal(key, (1024, 1024), dtype=jnp.float32)
    return {"x": x}

def reference(x):
    T = TIME_STEPS
    x_norm = jax.nn.sigmoid(x)
    epsilon = 1e-07
    latency = -TAU * jnp.log(x_norm + epsilon)
    latency = jnp.clip(latency, 0.0, float(T - 1))
    # torch int() truncates; latency is non-negative after clamp so trunc == floor
    t = latency.astype(jnp.int32)
    B, I = x.shape
    b_idx = jnp.arange(B)[:, None]
    i_idx = jnp.arange(I)[None, :]
    spike_train = jnp.zeros((B, T, I), dtype=jnp.float32)
    # scatter-overwrite: one spike (value 1.0) per (batch, input) at its latency timestep
    spike_train = spike_train.at[b_idx, t, i_idx].set(1.0)
    return spike_train

if __name__ == "__main__":
    import jax
    _d = setup_inputs()
    print(jax.jit(kernel)(*tuple(_d.values())))

</pallas_src>

<mosaic_0001>
#map = affine_map<(d0, d1) -> (0, 0)>
#map1 = affine_map<(d0, d1) -> (0)>
#map2 = affine_map<(d0, d1) -> (0, 0, 0)>
module attributes {stable_mosaic.version = 14 : i64} {
  func.func @_sc_body(%arg0: i32, %arg1: i32, %arg2: memref<1024x1024xf32, #tpu.memory_space<hbm>>, %arg3: memref<32x1024xf32, #tpu.memory_space<hbm>>, %arg4: memref<128xi32, #tpu.memory_space<hbm>>, %arg5: memref<128xf32, #tpu.memory_space<hbm>>, %arg6: memref<1024x32x1024xf32, #tpu.memory_space<hbm>>, %arg7: memref<32x1024xf32, #tpu.memory_space<vmem>>, %arg8: memref<128xi32, #tpu.memory_space<vmem>>, %arg9: memref<128xf32, #tpu.memory_space<vmem>>, %arg10: memref<32x1024xf32, #tpu.memory_space<vmem>>, %arg11: memref<32x1024xf32, #tpu.memory_space<vmem>>, %arg12: memref<1024xi32, #tpu.memory_space<vmem>>, %arg13: memref<1024xi32, #tpu.memory_space<vmem>>, %arg14: memref<!tpu.dma_semaphore, #tpu.memory_space<semaphore_mem>>, %arg15: memref<!tpu.dma_semaphore, #tpu.memory_space<semaphore_mem>>) attributes {dimension_semantics = [#tpu.dimension_semantics<core_parallel>, #tpu.dimension_semantics<subcore_parallel>], iteration_bounds = array<i64: 2, 16>, scalar_prefetch = 0 : i64, scratch_operands = 9 : i64, tpu.core_type = #tpu.core_type<sc_vector_subcore>, window_params = [{transform_indices = #map}, {transform_indices = #map}, {transform_indices = #map1}, {transform_indices = #map1}, {transform_indices = #map2}]} {
    %mul3A = arith.constant 2 : i32
    %mul3A_0 = arith.muli %arg1, %mul3A : i32
    %add3A = arith.addi %mul3A_0, %arg0 : i32
    %mul3A_1 = arith.constant 32 : i32
    %mul3A_2 = arith.muli %add3A, %mul3A_1 : i32
    "tpu.region"() ({
      %run_scoped3A = tpu.sem_alloc : memref<!tpu.dma_semaphore, #tpu.memory_space<semaphore_mem>>
      tpu.enqueue_dma source(%arg4 : memref<128xi32, #tpu.memory_space<hbm>>) target(%arg8 : memref<128xi32, #tpu.memory_space<vmem>>) target_semaphore(%run_scoped3A : memref<!tpu.dma_semaphore, #tpu.memory_space<semaphore_mem>>)
      tpu.wait_dma2 semaphore(%run_scoped3A : memref<!tpu.dma_semaphore, #tpu.memory_space<semaphore_mem>>) src(%arg4 : memref<128xi32, #tpu.memory_space<hbm>>) dst(%arg8 : memref<128xi32, #tpu.memory_space<vmem>>)
      tpu.yield
    }) : () -> ()
    "tpu.region"() ({
      %run_scoped3A = tpu.sem_alloc : memref<!tpu.dma_semaphore, #tpu.memory_space<semaphore_mem>>
      tpu.enqueue_dma source(%arg5 : memref<128xf32, #tpu.memory_space<hbm>>) target(%arg9 : memref<128xf32, #tpu.memory_space<vmem>>) target_semaphore(%run_scoped3A : memref<!tpu.dma_semaphore, #tpu.memory_space<semaphore_mem>>)
      tpu.wait_dma2 semaphore(%run_scoped3A : memref<!tpu.dma_semaphore, #tpu.memory_space<semaphore_mem>>) src(%arg5 : memref<128xf32, #tpu.memory_space<hbm>>) dst(%arg9 : memref<128xf32, #tpu.memory_space<vmem>>)
      tpu.yield
    }) : () -> ()
    "tpu.region"() ({
      %run_scoped3A = tpu.sem_alloc : memref<!tpu.dma_semaphore, #tpu.memory_space<semaphore_mem>>
      %dma_start3A = arith.constant 0 : i32
      %dma_start3A_21 = tpu.memref_slice %arg2[%mul3A_2, %dma_start3A] : memref<1024x1024xf32, #tpu.memory_space<hbm>> -> memref<32x1024xf32, #tpu.memory_space<hbm>>
      %dma_start3A_22 = arith.constant 0 : i32
      %dma_start3A_23 = tpu.memref_slice %arg2[%mul3A_2, %dma_start3A_22] : memref<1024x1024xf32, #tpu.memory_space<hbm>> -> memref<32x1024xf32, #tpu.memory_space<hbm>>
      tpu.enqueue_dma source(%dma_start3A_23 : memref<32x1024xf32, #tpu.memory_space<hbm>>) target(%arg7 : memref<32x1024xf32, #tpu.memory_space<vmem>>) target_semaphore(%run_scoped3A : memref<!tpu.dma_semaphore, #tpu.memory_space<semaphore_mem>>)
      %dma_wait3A = arith.constant 0 : i32
      %dma_wait3A_24 = tpu.memref_slice %arg2[%mul3A_2, %dma_wait3A] : memref<1024x1024xf32, #tpu.memory_space<hbm>> -> memref<32x1024xf32, #tpu.memory_space<hbm>>
      %dma_wait3A_25 = arith.constant 0 : i32
      %dma_wait3A_26 = tpu.memref_slice %arg2[%mul3A_2, %dma_wait3A_25] : memref<1024x1024xf32, #tpu.memory_space<hbm>> -> memref<32x1024xf32, #tpu.memory_space<hbm>>
      tpu.wait_dma2 semaphore(%run_scoped3A : memref<!tpu.dma_semaphore, #tpu.memory_space<semaphore_mem>>) src(%dma_wait3A_26 : memref<32x1024xf32, #tpu.memory_space<hbm>>) dst(%arg7 : memref<32x1024xf32, #tpu.memory_space<vmem>>)
      tpu.yield
    }) : () -> ()
    tpu.enqueue_dma source(%arg3 : memref<32x1024xf32, #tpu.memory_space<hbm>>) target(%arg10 : memref<32x1024xf32, #tpu.memory_space<vmem>>) target_semaphore(%arg14 : memref<!tpu.dma_semaphore, #tpu.memory_space<semaphore_mem>>)
    tpu.enqueue_dma source(%arg3 : memref<32x1024xf32, #tpu.memory_space<hbm>>) target(%arg11 : memref<32x1024xf32, #tpu.memory_space<vmem>>) target_semaphore(%arg15 : memref<!tpu.dma_semaphore, #tpu.memory_space<semaphore_mem>>)
    %iota3A = tpu.iota {dimensions = array<i32: 0>} : vector<16xi32>
    %broadcast_in_dim3A = arith.constant 1.000000e+00 : f32
    %broadcast_in_dim3A_3 = vector.broadcast %broadcast_in_dim3A : f32 to vector<16xf32>
    %broadcast_in_dim3A_4 = arith.constant 0.000000e+00 : f32
    %broadcast_in_dim3A_5 = vector.broadcast %broadcast_in_dim3A_4 : f32 to vector<16xf32>
    %broadcast_in_dim3A_6 = arith.constant 0 : i32
    %broadcast_in_dim3A_7 = vector.broadcast %broadcast_in_dim3A_6 : i32 to vector<16xi32>
    %scan3A = arith.constant 0 : i32
    %scan3A_8 = arith.constant 0 : i32
    %scan3A_9 = arith.constant 64 : i32
    %scan3A_10 = arith.addi %scan3A_8, %scan3A_9 : i32
    %scan3A_11 = arith.constant 8 : i32
    %scan3A_12 = scf.for %scan3A_21 = %scan3A_8 to %scan3A_10 step %scan3A_11 iter_args(%scan3A_22 = %scan3A) -> (i32)  : i32 {
      %mul3A_23 = arith.constant 16 : i32
      %mul3A_24 = arith.muli %scan3A_21, %mul3A_23 : i32
      %swap3A = arith.index_cast %mul3A_24 : i32 to index
      %swap3A_25 = tpu.vector_load %arg12[%swap3A] {strides = array<i32>} : memref<1024xi32, #tpu.memory_space<vmem>>, vector<16xi32>,
      tpu.vector_store %arg12[%swap3A], %broadcast_in_dim3A_7 {strides = array<i32>} : memref<1024xi32, #tpu.memory_space<vmem>>, vector<16xi32>,
      %mul3A_26 = arith.constant 16 : i32
      %mul3A_27 = arith.muli %scan3A_21, %mul3A_26 : i32
      %swap3A_28 = arith.index_cast %mul3A_27 : i32 to index
      %swap3A_29 = tpu.vector_load %arg13[%swap3A_28] {strides = array<i32>} : memref<1024xi32, #tpu.memory_space<vmem>>, vector<16xi32>,
      tpu.vector_store %arg13[%swap3A_28], %broadcast_in_dim3A_7 {strides = array<i32>} : memref<1024xi32, #tpu.memory_space<vmem>>, vector<16xi32>,
      %scan3A_30 = arith.constant 0 : i32
      %scan3A_31 = arith.constant 1 : i32
      %scan3A_32 = arith.addi %scan3A_21, %scan3A_31 : i32
      %mul3A_33 = arith.constant 16 : i32
      %mul3A_34 = arith.muli %scan3A_32, %mul3A_33 : i32
      %swap3A_35 = arith.index_cast %mul3A_34 : i32 to index
      %swap3A_36 = tpu.vector_load %arg12[%swap3A_35] {strides = array<i32>} : memref<1024xi32, #tpu.memory_space<vmem>>, vector<16xi32>,
      tpu.vector_store %arg12[%swap3A_35], %broadcast_in_dim3A_7 {strides = array<i32>} : memref<1024xi32, #tpu.memory_space<vmem>>, vector<16xi32>,
      %mul3A_37 = arith.constant 16 : i32
      %mul3A_38 = arith.muli %scan3A_32, %mul3A_37 : i32
      %swap3A_39 = arith.index_cast %mul3A_38 : i32 to index
      %swap3A_40 = tpu.vector_load %arg13[%swap3A_39] {strides = array<i32>} : memref<1024xi32, #tpu.memory_space<vmem>>, vector<16xi32>,
      tpu.vector_store %arg13[%swap3A_39], %broadcast_in_dim3A_7 {strides = array<i32>} : memref<1024xi32, #tpu.memory_space<vmem>>, vector<16xi32>,
      %scan3A_41 = arith.constant 0 : i32
      %scan3A_42 = arith.constant 2 : i32
      %scan3A_43 = arith.addi %scan3A_21, %scan3A_42 : i32
      %mul3A_44 = arith.constant 16 : i32
      %mul3A_45 = arith.muli %scan3A_43, %mul3A_44 : i32
      %swap3A_46 = arith.index_cast %mul3A_45 : i32 to index
      %swap3A_47 = tpu.vector_load %arg12[%swap3A_46] {strides = array<i32>} : memref<1024xi32, #tpu.memory_space<vmem>>, vector<16xi32>,
      tpu.vector_store %arg12[%swap3A_46], %broadcast_in_dim3A_7 {strides = array<i32>} : memref<1024xi32, #tpu.memory_space<vmem>>, vector<16xi32>,
      %mul3A_48 = arith.constant 16 : i32
      %mul3A_49 = arith.muli %scan3A_43, %mul3A_48 : i32
      %swap3A_50 = arith.index_cast %mul3A_49 : i32 to index
      %swap3A_51 = tpu.vector_load %arg13[%swap3A_50] {strides = array<i32>} : memref<1024xi32, #tpu.memory_space<vmem>>, vector<16xi32>,
      tpu.vector_store %arg13[%swap3A_50], %broadcast_in_dim3A_7 {strides = array<i32>} : memref<1024xi32, #tpu.memory_space<vmem>>, vector<16xi32>,
      %scan3A_52 = arith.constant 0 : i32
      %scan3A_53 = arith.constant 3 : i32
      %scan3A_54 = arith.addi %scan3A_21, %scan3A_53 : i32
      %mul3A_55 = arith.constant 16 : i32
      %mul3A_56 = arith.muli %scan3A_54, %mul3A_55 : i32
      %swap3A_57 = arith.index_cast %mul3A_56 : i32 to index
      %swap3A_58 = tpu.vector_load %arg12[%swap3A_57] {strides = array<i32>} : memref<1024xi32, #tpu.memory_space<vmem>>, vector<16xi32>,
      tpu.vector_store %arg12[%swap3A_57], %broadcast_in_dim3A_7 {strides = array<i32>} : memref<1024xi32, #tpu.memory_space<vmem>>, vector<16xi32>,
      %mul3A_59 = arith.constant 16 : i32
      %mul3A_60 = arith.muli %scan3A_54, %mul3A_59 : i32
      %swap3A_61 = arith.index_cast %mul3A_60 : i32 to index
      %swap3A_62 = tpu.vector_load %arg13[%swap3A_61] {strides = array<i32>} : memref<1024xi32, #tpu.memory_space<vmem>>, vector<16xi32>,
      tpu.vector_store %arg13[%swap3A_61], %broadcast_in_dim3A_7 {strides = array<i32>} : memref<1024xi32, #tpu.memory_space<vmem>>, vector<16xi32>,
      %scan3A_63 = arith.constant 0 : i32
      %scan3A_64 = arith.constant 4 : i32
      %scan3A_65 = arith.addi %scan3A_21, %scan3A_64 : i32
      %mul3A_66 = arith.constant 16 : i32
      %mul3A_67 = arith.muli %scan3A_65, %mul3A_66 : i32
      %swap3A_68 = arith.index_cast %mul3A_67 : i32 to index
      %swap3A_69 = tpu.vector_load %arg12[%swap3A_68] {strides = array<i32>} : memref<1024xi32, #tpu.memory_space<vmem>>, vector<16xi32>,
      tpu.vector_store %arg12[%swap3A_68], %broadcast_in_dim3A_7 {strides = array<i32>} : memref<1024xi32, #tpu.memory_space<vmem>>, vector<16xi32>,
      %mul3A_70 = arith.constant 16 : i32
      %mul3A_71 = arith.muli %scan3A_65, %mul3A_70 : i32
      %swap3A_72 = arith.index_cast %mul3A_71 : i32 to index
      %swap3A_73 = tpu.vector_load %arg13[%swap3A_72] {strides = array<i32>} : memref<1024xi32, #tpu.memory_space<vmem>>, vector<16xi32>,
      tpu.vector_store %arg13[%swap3A_72], %broadcast_in_dim3A_7 {strides = array<i32>} : memref<1024xi32, #tpu.memory_space<vmem>>, vector<16xi32>,
      %scan3A_74 = arith.constant 0 : i32
      %scan3A_75 = arith.constant 5 : i32
      %scan3A_76 = arith.addi %scan3A_21, %scan3A_75 : i32
      %mul3A_77 = arith.constant 16 : i32
      %mul3A_78 = arith.muli %scan3A_76, %mul3A_77 : i32
      %swap3A_79 = arith.index_cast %mul3A_78 : i32 to index
      %swap3A_80 = tpu.vector_load %arg12[%swap3A_79] {strides = array<i32>} : memref<1024xi32, #tpu.memory_space<vmem>>, vector<16xi32>,
      tpu.vector_store %arg12[%swap3A_79], %broadcast_in_dim3A_7 {strides = array<i32>} : memref<1024xi32, #tpu.memory_space<vmem>>, vector<16xi32>,
      %mul3A_81 = arith.constant 16 : i32
      %mul3A_82 = arith.muli %scan3A_76, %mul3A_81 : i32
      %swap3A_83 = arith.index_cast %mul3A_82 : i32 to index
      %swap3A_84 = tpu.vector_load %arg13[%swap3A_83] {strides = array<i32>} : memref<1024xi32, #tpu.memory_space<vmem>>, vector<16xi32>,
      tpu.vector_store %arg13[%swap3A_83], %broadcast_in_dim3A_7 {strides = array<i32>} : memref<1024xi32, #tpu.memory_space<vmem>>, vector<16xi32>,
      %scan3A_85 = arith.constant 0 : i32
      %scan3A_86 = arith.constant 6 : i32
      %scan3A_87 = arith.addi %scan3A_21, %scan3A_86 : i32
      %mul3A_88 = arith.constant 16 : i32
      %mul3A_89 = arith.muli %scan3A_87, %mul3A_88 : i32
      %swap3A_90 = arith.index_cast %mul3A_89 : i32 to index
      %swap3A_91 = tpu.vector_load %arg12[%swap3A_90] {strides = array<i32>} : memref<1024xi32, #tpu.memory_space<vmem>>, vector<16xi32>,
      tpu.vector_store %arg12[%swap3A_90], %broadcast_in_dim3A_7 {strides = array<i32>} : memref<1024xi32, #tpu.memory_space<vmem>>, vector<16xi32>,
      %mul3A_92 = arith.constant 16 : i32
      %mul3A_93 = arith.muli %scan3A_87, %mul3A_92 : i32
      %swap3A_94 = arith.index_cast %mul3A_93 : i32 to index
      %swap3A_95 = tpu.vector_load %arg13[%swap3A_94] {strides = array<i32>} : memref<1024xi32, #tpu.memory_space<vmem>>, vector<16xi32>,
      tpu.vector_store %arg13[%swap3A_94], %broadcast_in_dim3A_7 {strides = array<i32>} : memref<1024xi32, #tpu.memory_space<vmem>>, vector<16xi32>,
      %scan3A_96 = arith.constant 0 : i32
      %scan3A_97 = arith.constant 7 : i32
      %scan3A_98 = arith.addi %scan3A_21, %scan3A_97 : i32
      %mul3A_99 = arith.constant 16 : i32
      %mul3A_100 = arith.muli %scan3A_98, %mul3A_99 : i32
      %swap3A_101 = arith.index_cast %mul3A_100 : i32 to index
      %swap3A_102 = tpu.vector_load %arg12[%swap3A_101] {strides = array<i32>} : memref<1024xi32, #tpu.memory_space<vmem>>, vector<16xi32>,
      tpu.vector_store %arg12[%swap3A_101], %broadcast_in_dim3A_7 {strides = array<i32>} : memref<1024xi32, #tpu.memory_space<vmem>>, vector<16xi32>,
      %mul3A_103 = arith.constant 16 : i32
      %mul3A_104 = arith.muli %scan3A_98, %mul3A_103 : i32
      %swap3A_105 = arith.index_cast %mul3A_104 : i32 to index
      %swap3A_106 = tpu.vector_load %arg13[%swap3A_105] {strides = array<i32>} : memref<1024xi32, #tpu.memory_space<vmem>>, vector<16xi32>,
      tpu.vector_store %arg13[%swap3A_105], %broadcast_in_dim3A_7 {strides = array<i32>} : memref<1024xi32, #tpu.memory_space<vmem>>, vector<16xi32>,
      %scan3A_107 = arith.constant 0 : i32
      scf.yield %scan3A_107 : i32
    }
    %scan3A_13 = arith.constant 64 : i32
    %scan3A_14 = arith.constant 0 : i32
    %scan3A_15 = arith.constant 0 : i32
    %scan3A_16 = arith.constant 16 : i32
    %scan3A_17 = arith.addi %scan3A_15, %scan3A_16 : i32
    %scan3A_18 = arith.constant 1 : i32
    %scan3A_19 = scf.for %scan3A_21 = %scan3A_15 to %scan3A_17 step %scan3A_18 iter_args(%scan3A_22 = %scan3A_14) -> (i32)  : i32 {
      %mul3A_23 = arith.constant 2 : i32
      %mul3A_24 = arith.muli %mul3A_23, %scan3A_21 : i32
      %add3A_25 = arith.addi %mul3A_2, %mul3A_24 : i32
      tpu.wait_dma2 semaphore(%arg14 : memref<!tpu.dma_semaphore, #tpu.memory_space<semaphore_mem>>) src(%arg3 : memref<32x1024xf32, #tpu.memory_space<hbm>>) dst(%arg10 : memref<32x1024xf32, #tpu.memory_space<vmem>>)
      %scan3A_26 = arith.constant 0 : i32
      %scan3A_27 = arith.constant 0 : i32
      %scan3A_28 = arith.constant 64 : i32
      %scan3A_29 = arith.addi %scan3A_27, %scan3A_28 : i32
      %scan3A_30 = arith.constant 4 : i32
      %scan3A_31 = scf.for %scan3A_61 = %scan3A_27 to %scan3A_29 step %scan3A_30 iter_args(%scan3A_62 = %scan3A_26) -> (i32)  : i32 {
        %mul3A_63 = arith.constant 16 : i32
        %mul3A_64 = arith.muli %scan3A_61, %mul3A_63 : i32
        %add3A_65 = vector.broadcast %mul3A_64 : i32 to vector<16xi32>
        %add3A_66 = arith.addi %add3A_65, %iota3A : vector<16xi32>
        %mul3A_67 = arith.constant 16 : i32
        %mul3A_68 = arith.muli %scan3A_61, %mul3A_67 : i32
        %get3A = arith.index_cast %mul3A_68 : i32 to index
        %get3A_69 = tpu.vector_load %arg12[%get3A] {strides = array<i32>} : memref<1024xi32, #tpu.memory_space<vmem>>, vector<16xi32>,
        tpu.vector_store_idx %arg10[%get3A_69, %add3A_66], %broadcast_in_dim3A_5 : memref<32x1024xf32, #tpu.memory_space<vmem>>[vector<16xi32>, vector<16xi32>], vector<16xf32>,
        %mul3A_70 = arith.constant 16 : i32
        %mul3A_71 = arith.muli %scan3A_61, %mul3A_70 : i32
        %get3A_72 = arith.index_cast %mul3A_24 : i32 to index
        %get3A_73 = arith.index_cast %mul3A_71 : i32 to index
        %get3A_74 = tpu.vector_load %arg7[%get3A_72, %get3A_73] {strides = array<i32>} : memref<32x1024xf32, #tpu.memory_space<vmem>>, vector<16xf32>,
        %sub3A = arith.constant -3.250000e+00 : f32
        %sub3A_75 = vector.broadcast %sub3A : f32 to vector<16xf32>
        %sub3A_76 = arith.subf %get3A_74, %sub3A_75 : vector<16xf32>
        %mul3A_77 = arith.constant 1.600000e+01 : f32
        %mul3A_78 = vector.broadcast %mul3A_77 : f32 to vector<16xf32>
        %mul3A_79 = arith.mulf %sub3A_76, %mul3A_78 : vector<16xf32>
        %convert_element_type3A = arith.fptosi %mul3A_79 : vector<16xf32> to vector<16xi32>
        %max3A = arith.constant 0 : i32
        %max3A_80 = vector.broadcast %max3A : i32 to vector<16xi32>
        %max3A_81 = arith.maxsi %convert_element_type3A, %max3A_80 : vector<16xi32>
        %min3A = arith.constant 127 : i32
        %min3A_82 = vector.broadcast %min3A : i32 to vector<16xi32>
        %min3A_83 = arith.minsi %max3A_81, %min3A_82 : vector<16xi32>
        %gather3A = tpu.vector_load_idx %arg8[%min3A_83] : memref<128xi32, #tpu.memory_space<vmem>>[vector<16xi32>], vector<16xi32>,
        %gather3A_84 = tpu.vector_load_idx %arg9[%min3A_83] : memref<128xf32, #tpu.memory_space<vmem>>[vector<16xi32>], vector<16xf32>,
        %le3A = arith.cmpf ole, %get3A_74, %gather3A_84 : vector<16xf32>
        %convert_element_type3A_85 = arith.extui %le3A : vector<16xi1> to vector<16xi32>
        %add3A_86 = arith.addi %gather3A, %convert_element_type3A_85 : vector<16xi32>
        %mul3A_87 = arith.constant 16 : i32
        %mul3A_88 = arith.muli %scan3A_61, %mul3A_87 : i32
        %swap3A = arith.index_cast %mul3A_88 : i32 to index
        %swap3A_89 = tpu.vector_load %arg12[%swap3A] {strides = array<i32>} : memref<1024xi32, #tpu.memory_space<vmem>>, vector<16xi32>,
        tpu.vector_store %arg12[%swap3A], %add3A_86 {strides = array<i32>} : memref<1024xi32, #tpu.memory_space<vmem>>, vector<16xi32>,
        tpu.vector_store_idx %arg10[%add3A_86, %add3A_66], %broadcast_in_dim3A_3 : memref<32x1024xf32, #tpu.memory_space<vmem>>[vector<16xi32>, vector<16xi32>], vector<16xf32>,
        %scan3A_90 = arith.constant 0 : i32
        %scan3A_91 = arith.constant 1 : i32
        %scan3A_92 = arith.addi %scan3A_61, %scan3A_91 : i32
        %mul3A_93 = arith.constant 16 : i32
        %mul3A_94 = arith.muli %scan3A_92, %mul3A_93 : i32
        %add3A_95 = vector.broadcast %mul3A_94 : i32 to vector<16xi32>
        %add3A_96 = arith.addi %add3A_95, %iota3A : vector<16xi32>
        %mul3A_97 = arith.constant 16 : i32
        %mul3A_98 = arith.muli %scan3A_92, %mul3A_97 : i32
        %get3A_99 = arith.index_cast %mul3A_98 : i32 to index
        %get3A_100 = tpu.vector_load %arg12[%get3A_99] {strides = array<i32>} : memref<1024xi32, #tpu.memory_space<vmem>>, vector<16xi32>,
        tpu.vector_store_idx %arg10[%get3A_100, %add3A_96], %broadcast_in_dim3A_5 : memref<32x1024xf32, #tpu.memory_space<vmem>>[vector<16xi32>, vector<16xi32>], vector<16xf32>,
        %mul3A_101 = arith.constant 16 : i32
        %mul3A_102 = arith.muli %scan3A_92, %mul3A_101 : i32
        %get3A_103 = arith.index_cast %mul3A_24 : i32 to index
        %get3A_104 = arith.index_cast %mul3A_102 : i32 to index
        %get3A_105 = tpu.vector_load %arg7[%get3A_103, %get3A_104] {strides = array<i32>} : memref<32x1024xf32, #tpu.memory_space<vmem>>, vector<16xf32>,
        %sub3A_106 = arith.constant -3.250000e+00 : f32
        %sub3A_107 = vector.broadcast %sub3A_106 : f32 to vector<16xf32>
        %sub3A_108 = arith.subf %get3A_105, %sub3A_107 : vector<16xf32>
        %mul3A_109 = arith.constant 1.600000e+01 : f32
        %mul3A_110 = vector.broadcast %mul3A_109 : f32 to vector<16xf32>
        %mul3A_111 = arith.mulf %sub3A_108, %mul3A_110 : vector<16xf32>
        %convert_element_type3A_112 = arith.fptosi %mul3A_111 : vector<16xf32> to vector<16xi32>
        %max3A_113 = arith.constant 0 : i32
        %max3A_114 = vector.broadcast %max3A_113 : i32 to vector<16xi32>
        %max3A_115 = arith.maxsi %convert_element_type3A_112, %max3A_114 : vector<16xi32>
        %min3A_116 = arith.constant 127 : i32
        %min3A_117 = vector.broadcast %min3A_116 : i32 to vector<16xi32>
        %min3A_118 = arith.minsi %max3A_115, %min3A_117 : vector<16xi32>
        %gather3A_119 = tpu.vector_load_idx %arg8[%min3A_118] : memref<128xi32, #tpu.memory_space<vmem>>[vector<16xi32>], vector<16xi32>,
        %gather3A_120 = tpu.vector_load_idx %arg9[%min3A_118] : memref<128xf32, #tpu.memory_space<vmem>>[vector<16xi32>], vector<16xf32>,
        %le3A_121 = arith.cmpf ole, %get3A_105, %gather3A_120 : vector<16xf32>
        %convert_element_type3A_122 = arith.extui %le3A_121 : vector<16xi1> to vector<16xi32>
        %add3A_123 = arith.addi %gather3A_119, %convert_element_type3A_122 : vector<16xi32>
        %mul3A_124 = arith.constant 16 : i32
        %mul3A_125 = arith.muli %scan3A_92, %mul3A_124 : i32
        %swap3A_126 = arith.index_cast %mul3A_125 : i32 to index
        %swap3A_127 = tpu.vector_load %arg12[%swap3A_126] {strides = array<i32>} : memref<1024xi32, #tpu.memory_space<vmem>>, vector<16xi32>,
        tpu.vector_store %arg12[%swap3A_126], %add3A_123 {strides = array<i32>} : memref<1024xi32, #tpu.memory_space<vmem>>, vector<16xi32>,
        tpu.vector_store_idx %arg10[%add3A_123, %add3A_96], %broadcast_in_dim3A_3 : memref<32x1024xf32, #tpu.memory_space<vmem>>[vector<16xi32>, vector<16xi32>], vector<16xf32>,
        %scan3A_128 = arith.constant 0 : i32
        %scan3A_129 = arith.constant 2 : i32
        %scan3A_130 = arith.addi %scan3A_61, %scan3A_129 : i32
        %mul3A_131 = arith.constant 16 : i32
        %mul3A_132 = arith.muli %scan3A_130, %mul3A_131 : i32
        %add3A_133 = vector.broadcast %mul3A_132 : i32 to vector<16xi32>
        %add3A_134 = arith.addi %add3A_133, %iota3A : vector<16xi32>
        %mul3A_135 = arith.constant 16 : i32
        %mul3A_136 = arith.muli %scan3A_130, %mul3A_135 : i32
        %get3A_137 = arith.index_cast %mul3A_136 : i32 to index
        %get3A_138 = tpu.vector_load %arg12[%get3A_137] {strides = array<i32>} : memref<1024xi32, #tpu.memory_space<vmem>>, vector<16xi32>,
        tpu.vector_store_idx %arg10[%get3A_138, %add3A_134], %broadcast_in_dim3A_5 : memref<32x1024xf32, #tpu.memory_space<vmem>>[vector<16xi32>, vector<16xi32>], vector<16xf32>,
        %mul3A_139 = arith.constant 16 : i32
        %mul3A_140 = arith.muli %scan3A_130, %mul3A_139 : i32
        %get3A_141 = arith.index_cast %mul3A_24 : i32 to index
        %get3A_142 = arith.index_cast %mul3A_140 : i32 to index
        %get3A_143 = tpu.vector_load %arg7[%get3A_141, %get3A_142] {strides = array<i32>} : memref<32x1024xf32, #tpu.memory_space<vmem>>, vector<16xf32>,
        %sub3A_144 = arith.constant -3.250000e+00 : f32
        %sub3A_145 = vector.broadcast %sub3A_144 : f32 to vector<16xf32>
        %sub3A_146 = arith.subf %get3A_143, %sub3A_145 : vector<16xf32>
        %mul3A_147 = arith.constant 1.600000e+01 : f32
        %mul3A_148 = vector.broadcast %mul3A_147 : f32 to vector<16xf32>
        %mul3A_149 = arith.mulf %sub3A_146, %mul3A_148 : vector<16xf32>
        %convert_element_type3A_150 = arith.fptosi %mul3A_149 : vector<16xf32> to vector<16xi32>
        %max3A_151 = arith.constant 0 : i32
        %max3A_152 = vector.broadcast %max3A_151 : i32 to vector<16xi32>
        %max3A_153 = arith.maxsi %convert_element_type3A_150, %max3A_152 : vector<16xi32>
        %min3A_154 = arith.constant 127 : i32
        %min3A_155 = vector.broadcast %min3A_154 : i32 to vector<16xi32>
        %min3A_156 = arith.minsi %max3A_153, %min3A_155 : vector<16xi32>
        %gather3A_157 = tpu.vector_load_idx %arg8[%min3A_156] : memref<128xi32, #tpu.memory_space<vmem>>[vector<16xi32>], vector<16xi32>,
        %gather3A_158 = tpu.vector_load_idx %arg9[%min3A_156] : memref<128xf32, #tpu.memory_space<vmem>>[vector<16xi32>], vector<16xf32>,
        %le3A_159 = arith.cmpf ole, %get3A_143, %gather3A_158 : vector<16xf32>
        %convert_element_type3A_160 = arith.extui %le3A_159 : vector<16xi1> to vector<16xi32>
        %add3A_161 = arith.addi %gather3A_157, %convert_element_type3A_160 : vector<16xi32>
        %mul3A_162 = arith.constant 16 : i32
        %mul3A_163 = arith.muli %scan3A_130, %mul3A_162 : i32
        %swap3A_164 = arith.index_cast %mul3A_163 : i32 to index
        %swap3A_165 = tpu.vector_load %arg12[%swap3A_164] {strides = array<i32>} : memref<1024xi32, #tpu.memory_space<vmem>>, vector<16xi32>,
        tpu.vector_store %arg12[%swap3A_164], %add3A_161 {strides = array<i32>} : memref<1024xi32, #tpu.memory_space<vmem>>, vector<16xi32>,
        tpu.vector_store_idx %arg10[%add3A_161, %add3A_134], %broadcast_in_dim3A_3 : memref<32x1024xf32, #tpu.memory_space<vmem>>[vector<16xi32>, vector<16xi32>], vector<16xf32>,
        %scan3A_166 = arith.constant 0 : i32
        %scan3A_167 = arith.constant 3 : i32
        %scan3A_168 = arith.addi %scan3A_61, %scan3A_167 : i32
        %mul3A_169 = arith.constant 16 : i32
        %mul3A_170 = arith.muli %scan3A_168, %mul3A_169 : i32
        %add3A_171 = vector.broadcast %mul3A_170 : i32 to vector<16xi32>
        %add3A_172 = arith.addi %add3A_171, %iota3A : vector<16xi32>
        %mul3A_173 = arith.constant 16 : i32
        %mul3A_174 = arith.muli %scan3A_168, %mul3A_173 : i32
        %get3A_175 = arith.index_cast %mul3A_174 : i32 to index
        %get3A_176 = tpu.vector_load %arg12[%get3A_175] {strides = array<i32>} : memref<1024xi32, #tpu.memory_space<vmem>>, vector<16xi32>,
        tpu.vector_store_idx %arg10[%get3A_176, %add3A_172], %broadcast_in_dim3A_5 : memref<32x1024xf32, #tpu.memory_space<vmem>>[vector<16xi32>, vector<16xi32>], vector<16xf32>,
        %mul3A_177 = arith.constant 16 : i32
        %mul3A_178 = arith.muli %scan3A_168, %mul3A_177 : i32
        %get3A_179 = arith.index_cast %mul3A_24 : i32 to index
        %get3A_180 = arith.index_cast %mul3A_178 : i32 to index
        %get3A_181 = tpu.vector_load %arg7[%get3A_179, %get3A_180] {strides = array<i32>} : memref<32x1024xf32, #tpu.memory_space<vmem>>, vector<16xf32>,
        %sub3A_182 = arith.constant -3.250000e+00 : f32
        %sub3A_183 = vector.broadcast %sub3A_182 : f32 to vector<16xf32>
        %sub3A_184 = arith.subf %get3A_181, %sub3A_183 : vector<16xf32>
        %mul3A_185 = arith.constant 1.600000e+01 : f32
        %mul3A_186 = vector.broadcast %mul3A_185 : f32 to vector<16xf32>
        %mul3A_187 = arith.mulf %sub3A_184, %mul3A_186 : vector<16xf32>
        %convert_element_type3A_188 = arith.fptosi %mul3A_187 : vector<16xf32> to vector<16xi32>
        %max3A_189 = arith.constant 0 : i32
        %max3A_190 = vector.broadcast %max3A_189 : i32 to vector<16xi32>
        %max3A_191 = arith.maxsi %convert_element_type3A_188, %max3A_190 : vector<16xi32>
        %min3A_192 = arith.constant 127 : i32
        %min3A_193 = vector.broadcast %min3A_192 : i32 to vector<16xi32>
        %min3A_194 = arith.minsi %max3A_191, %min3A_193 : vector<16xi32>
        %gather3A_195 = tpu.vector_load_idx %arg8[%min3A_194] : memref<128xi32, #tpu.memory_space<vmem>>[vector<16xi32>], vector<16xi32>,
        %gather3A_196 = tpu.vector_load_idx %arg9[%min3A_194] : memref<128xf32, #tpu.memory_space<vmem>>[vector<16xi32>], vector<16xf32>,
        %le3A_197 = arith.cmpf ole, %get3A_181, %gather3A_196 : vector<16xf32>
        %convert_element_type3A_198 = arith.extui %le3A_197 : vector<16xi1> to vector<16xi32>
        %add3A_199 = arith.addi %gather3A_195, %convert_element_type3A_198 : vector<16xi32>
        %mul3A_200 = arith.constant 16 : i32
        %mul3A_201 = arith.muli %scan3A_168, %mul3A_200 : i32
        %swap3A_202 = arith.index_cast %mul3A_201 : i32 to index
        %swap3A_203 = tpu.vector_load %arg12[%swap3A_202] {strides = array<i32>} : memref<1024xi32, #tpu.memory_space<vmem>>, vector<16xi32>,
        tpu.vector_store %arg12[%swap3A_202], %add3A_199 {strides = array<i32>} : memref<1024xi32, #tpu.memory_space<vmem>>, vector<16xi32>,
        tpu.vector_store_idx %arg10[%add3A_199, %add3A_172], %broadcast_in_dim3A_3 : memref<32x1024xf32, #tpu.memory_space<vmem>>[vector<16xi32>, vector<16xi32>], vector<16xf32>,
        %scan3A_204 = arith.constant 0 : i32
        scf.yield %scan3A_204 : i32
      }
      %scan3A_32 = arith.constant 64 : i32
      %dma_start3A = arith.constant 0 : i32
      %dma_start3A_33 = arith.constant 0 : i32
      %dma_start3A_34 = tpu.memref_slice %arg6[%add3A_25, %dma_start3A, %dma_start3A_33] : memref<1024x32x1024xf32, #tpu.memory_space<hbm>> -> memref<1x32x1024xf32, #tpu.memory_space<hbm>>
      %dma_start3A_35 = tpu.memref_squeeze %dma_start3A_34 : memref<1x32x1024xf32, #tpu.memory_space<hbm>> -> memref<32x1024xf32, #tpu.memory_space<hbm>>
      %dma_start3A_36 = arith.constant 0 : i32
      %dma_start3A_37 = arith.constant 0 : i32
      %dma_start3A_38 = tpu.memref_slice %arg6[%add3A_25, %dma_start3A_36, %dma_start3A_37] : memref<1024x32x1024xf32, #tpu.memory_space<hbm>> -> memref<1x32x1024xf32, #tpu.memory_space<hbm>>
      %dma_start3A_39 = tpu.memref_squeeze %dma_start3A_38 : memref<1x32x1024xf32, #tpu.memory_space<hbm>> -> memref<32x1024xf32, #tpu.memory_space<hbm>>
      tpu.enqueue_dma source(%arg10 : memref<32x1024xf32, #tpu.memory_space<vmem>>) target(%dma_start3A_39 : memref<32x1024xf32, #tpu.memory_space<hbm>>) target_semaphore(%arg14 : memref<!tpu.dma_semaphore, #tpu.memory_space<semaphore_mem>>)
      %mul3A_40 = arith.constant 2 : i32
      %mul3A_41 = arith.muli %mul3A_40, %scan3A_21 : i32
      %add3A_42 = arith.constant 1 : i32
      %add3A_43 = arith.addi %mul3A_41, %add3A_42 : i32
      %add3A_44 = arith.addi %mul3A_2, %add3A_43 : i32
      tpu.wait_dma2 semaphore(%arg15 : memref<!tpu.dma_semaphore, #tpu.memory_space<semaphore_mem>>) src(%arg3 : memref<32x1024xf32, #tpu.memory_space<hbm>>) dst(%arg11 : memref<32x1024xf32, #tpu.memory_space<vmem>>)
      %scan3A_45 = arith.constant 0 : i32
      %scan3A_46 = arith.constant 0 : i32
      %scan3A_47 = arith.constant 64 : i32
      %scan3A_48 = arith.addi %scan3A_46, %scan3A_47 : i32
      %scan3A_49 = arith.constant 4 : i32
      %scan3A_50 = scf.for %scan3A_61 = %scan3A_46 to %scan3A_48 step %scan3A_49 iter_args(%scan3A_62 = %scan3A_45) -> (i32)  : i32 {
        %mul3A_63 = arith.constant 16 : i32
        %mul3A_64 = arith.muli %scan3A_61, %mul3A_63 : i32
        %add3A_65 = vector.broadcast %mul3A_64 : i32 to vector<16xi32>
        %add3A_66 = arith.addi %add3A_65, %iota3A : vector<16xi32>
        %mul3A_67 = arith.constant 16 : i32
        %mul3A_68 = arith.muli %scan3A_61, %mul3A_67 : i32
        %get3A = arith.index_cast %mul3A_68 : i32 to index
        %get3A_69 = tpu.vector_load %arg13[%get3A] {strides = array<i32>} : memref<1024xi32, #tpu.memory_space<vmem>>, vector<16xi32>,
        tpu.vector_store_idx %arg11[%get3A_69, %add3A_66], %broadcast_in_dim3A_5 : memref<32x1024xf32, #tpu.memory_space<vmem>>[vector<16xi32>, vector<16xi32>], vector<16xf32>,
        %mul3A_70 = arith.constant 16 : i32
        %mul3A_71 = arith.muli %scan3A_61, %mul3A_70 : i32
        %get3A_72 = arith.index_cast %add3A_43 : i32 to index
        %get3A_73 = arith.index_cast %mul3A_71 : i32 to index
        %get3A_74 = tpu.vector_load %arg7[%get3A_72, %get3A_73] {strides = array<i32>} : memref<32x1024xf32, #tpu.memory_space<vmem>>, vector<16xf32>,
        %sub3A = arith.constant -3.250000e+00 : f32
        %sub3A_75 = vector.broadcast %sub3A : f32 to vector<16xf32>
        %sub3A_76 = arith.subf %get3A_74, %sub3A_75 : vector<16xf32>
        %mul3A_77 = arith.constant 1.600000e+01 : f32
        %mul3A_78 = vector.broadcast %mul3A_77 : f32 to vector<16xf32>
        %mul3A_79 = arith.mulf %sub3A_76, %mul3A_78 : vector<16xf32>
        %convert_element_type3A = arith.fptosi %mul3A_79 : vector<16xf32> to vector<16xi32>
        %max3A = arith.constant 0 : i32
        %max3A_80 = vector.broadcast %max3A : i32 to vector<16xi32>
        %max3A_81 = arith.maxsi %convert_element_type3A, %max3A_80 : vector<16xi32>
        %min3A = arith.constant 127 : i32
        %min3A_82 = vector.broadcast %min3A : i32 to vector<16xi32>
        %min3A_83 = arith.minsi %max3A_81, %min3A_82 : vector<16xi32>
        %gather3A = tpu.vector_load_idx %arg8[%min3A_83] : memref<128xi32, #tpu.memory_space<vmem>>[vector<16xi32>], vector<16xi32>,
        %gather3A_84 = tpu.vector_load_idx %arg9[%min3A_83] : memref<128xf32, #tpu.memory_space<vmem>>[vector<16xi32>], vector<16xf32>,
        %le3A = arith.cmpf ole, %get3A_74, %gather3A_84 : vector<16xf32>
        %convert_element_type3A_85 = arith.extui %le3A : vector<16xi1> to vector<16xi32>
        %add3A_86 = arith.addi %gather3A, %convert_element_type3A_85 : vector<16xi32>
        %mul3A_87 = arith.constant 16 : i32
        %mul3A_88 = arith.muli %scan3A_61, %mul3A_87 : i32
        %swap3A = arith.index_cast %mul3A_88 : i32 to index
        %swap3A_89 = tpu.vector_load %arg13[%swap3A] {strides = array<i32>} : memref<1024xi32, #tpu.memory_space<vmem>>, vector<16xi32>,
        tpu.vector_store %arg13[%swap3A], %add3A_86 {strides = array<i32>} : memref<1024xi32, #tpu.memory_space<vmem>>, vector<16xi32>,
        tpu.vector_store_idx %arg11[%add3A_86, %add3A_66], %broadcast_in_dim3A_3 : memref<32x1024xf32, #tpu.memory_space<vmem>>[vector<16xi32>, vector<16xi32>], vector<16xf32>,
        %scan3A_90 = arith.constant 0 : i32
        %scan3A_91 = arith.constant 1 : i32
        %scan3A_92 = arith.addi %scan3A_61, %scan3A_91 : i32
        %mul3A_93 = arith.constant 16 : i32
        %mul3A_94 = arith.muli %scan3A_92, %mul3A_93 : i32
        %add3A_95 = vector.broadcast %mul3A_94 : i32 to vector<16xi32>
        %add3A_96 = arith.addi %add3A_95, %iota3A : vector<16xi32>
        %mul3A_97 = arith.constant 16 : i32
        %mul3A_98 = arith.muli %scan3A_92, %mul3A_97 : i32
        %get3A_99 = arith.index_cast %mul3A_98 : i32 to index
        %get3A_100 = tpu.vector_load %arg13[%get3A_99] {strides = array<i32>} : memref<1024xi32, #tpu.memory_space<vmem>>, vector<16xi32>,
        tpu.vector_store_idx %arg11[%get3A_100, %add3A_96], %broadcast_in_dim3A_5 : memref<32x1024xf32, #tpu.memory_space<vmem>>[vector<16xi32>, vector<16xi32>], vector<16xf32>,
        %mul3A_101 = arith.constant 16 : i32
        %mul3A_102 = arith.muli %scan3A_92, %mul3A_101 : i32
        %get3A_103 = arith.index_cast %add3A_43 : i32 to index
        %get3A_104 = arith.index_cast %mul3A_102 : i32 to index
        %get3A_105 = tpu.vector_load %arg7[%get3A_103, %get3A_104] {strides = array<i32>} : memref<32x1024xf32, #tpu.memory_space<vmem>>, vector<16xf32>,
        %sub3A_106 = arith.constant -3.250000e+00 : f32
        %sub3A_107 = vector.broadcast %sub3A_106 : f32 to vector<16xf32>
        %sub3A_108 = arith.subf %get3A_105, %sub3A_107 : vector<16xf32>
        %mul3A_109 = arith.constant 1.600000e+01 : f32
        %mul3A_110 = vector.broadcast %mul3A_109 : f32 to vector<16xf32>
        %mul3A_111 = arith.mulf %sub3A_108, %mul3A_110 : vector<16xf32>
        %convert_element_type3A_112 = arith.fptosi %mul3A_111 : vector<16xf32> to vector<16xi32>
        %max3A_113 = arith.constant 0 : i32
        %max3A_114 = vector.broadcast %max3A_113 : i32 to vector<16xi32>
        %max3A_115 = arith.maxsi %convert_element_type3A_112, %max3A_114 : vector<16xi32>
        %min3A_116 = arith.constant 127 : i32
        %min3A_117 = vector.broadcast %min3A_116 : i32 to vector<16xi32>
        %min3A_118 = arith.minsi %max3A_115, %min3A_117 : vector<16xi32>
        %gather3A_119 = tpu.vector_load_idx %arg8[%min3A_118] : memref<128xi32, #tpu.memory_space<vmem>>[vector<16xi32>], vector<16xi32>,
        %gather3A_120 = tpu.vector_load_idx %arg9[%min3A_118] : memref<128xf32, #tpu.memory_space<vmem>>[vector<16xi32>], vector<16xf32>,
        %le3A_121 = arith.cmpf ole, %get3A_105, %gather3A_120 : vector<16xf32>
        %convert_element_type3A_122 = arith.extui %le3A_121 : vector<16xi1> to vector<16xi32>
        %add3A_123 = arith.addi %gather3A_119, %convert_element_type3A_122 : vector<16xi32>
        %mul3A_124 = arith.constant 16 : i32
        %mul3A_125 = arith.muli %scan3A_92, %mul3A_124 : i32
        %swap3A_126 = arith.index_cast %mul3A_125 : i32 to index
        %swap3A_127 = tpu.vector_load %arg13[%swap3A_126] {strides = array<i32>} : memref<1024xi32, #tpu.memory_space<vmem>>, vector<16xi32>,
        tpu.vector_store %arg13[%swap3A_126], %add3A_123 {strides = array<i32>} : memref<1024xi32, #tpu.memory_space<vmem>>, vector<16xi32>,
        tpu.vector_store_idx %arg11[%add3A_123, %add3A_96], %broadcast_in_dim3A_3 : memref<32x1024xf32, #tpu.memory_space<vmem>>[vector<16xi32>, vector<16xi32>], vector<16xf32>,
        %scan3A_128 = arith.constant 0 : i32
        %scan3A_129 = arith.constant 2 : i32
        %scan3A_130 = arith.addi %scan3A_61, %scan3A_129 : i32
        %mul3A_131 = arith.constant 16 : i32
        %mul3A_132 = arith.muli %scan3A_130, %mul3A_131 : i32
        %add3A_133 = vector.broadcast %mul3A_132 : i32 to vector<16xi32>
        %add3A_134 = arith.addi %add3A_133, %iota3A : vector<16xi32>
        %mul3A_135 = arith.constant 16 : i32
        %mul3A_136 = arith.muli %scan3A_130, %mul3A_135 : i32
        %get3A_137 = arith.index_cast %mul3A_136 : i32 to index
        %get3A_138 = tpu.vector_load %arg13[%get3A_137] {strides = array<i32>} : memref<1024xi32, #tpu.memory_space<vmem>>, vector<16xi32>,
        tpu.vector_store_idx %arg11[%get3A_138, %add3A_134], %broadcast_in_dim3A_5 : memref<32x1024xf32, #tpu.memory_space<vmem>>[vector<16xi32>, vector<16xi32>], vector<16xf32>,
        %mul3A_139 = arith.constant 16 : i32
        %mul3A_140 = arith.muli %scan3A_130, %mul3A_139 : i32
        %get3A_141 = arith.index_cast %add3A_43 : i32 to index
        %get3A_142 = arith.index_cast %mul3A_140 : i32 to index
        %get3A_143 = tpu.vector_load %arg7[%get3A_141, %get3A_142] {strides = array<i32>} : memref<32x1024xf32, #tpu.memory_space<vmem>>, vector<16xf32>,
        %sub3A_144 = arith.constant -3.250000e+00 : f32
        %sub3A_145 = vector.broadcast %sub3A_144 : f32 to vector<16xf32>
        %sub3A_146 = arith.subf %get3A_143, %sub3A_145 : vector<16xf32>
        %mul3A_147 = arith.constant 1.600000e+01 : f32
        %mul3A_148 = vector.broadcast %mul3A_147 : f32 to vector<16xf32>
        %mul3A_149 = arith.mulf %sub3A_146, %mul3A_148 : vector<16xf32>
        %convert_element_type3A_150 = arith.fptosi %mul3A_149 : vector<16xf32> to vector<16xi32>
        %max3A_151 = arith.constant 0 : i32
        %max3A_152 = vector.broadcast %max3A_151 : i32 to vector<16xi32>
        %max3A_153 = arith.maxsi %convert_element_type3A_150, %max3A_152 : vector<16xi32>
        %min3A_154 = arith.constant 127 : i32
        %min3A_155 = vector.broadcast %min3A_154 : i32 to vector<16xi32>
        %min3A_156 = arith.minsi %max3A_153, %min3A_155 : vector<16xi32>
        %gather3A_157 = tpu.vector_load_idx %arg8[%min3A_156] : memref<128xi32, #tpu.memory_space<vmem>>[vector<16xi32>], vector<16xi32>,
        %gather3A_158 = tpu.vector_load_idx %arg9[%min3A_156] : memref<128xf32, #tpu.memory_space<vmem>>[vector<16xi32>], vector<16xf32>,
        %le3A_159 = arith.cmpf ole, %get3A_143, %gather3A_158 : vector<16xf32>
        %convert_element_type3A_160 = arith.extui %le3A_159 : vector<16xi1> to vector<16xi32>
        %add3A_161 = arith.addi %gather3A_157, %convert_element_type3A_160 : vector<16xi32>
        %mul3A_162 = arith.constant 16 : i32
        %mul3A_163 = arith.muli %scan3A_130, %mul3A_162 : i32
        %swap3A_164 = arith.index_cast %mul3A_163 : i32 to index
        %swap3A_165 = tpu.vector_load %arg13[%swap3A_164] {strides = array<i32>} : memref<1024xi32, #tpu.memory_space<vmem>>, vector<16xi32>,
        tpu.vector_store %arg13[%swap3A_164], %add3A_161 {strides = array<i32>} : memref<1024xi32, #tpu.memory_space<vmem>>, vector<16xi32>,
        tpu.vector_store_idx %arg11[%add3A_161, %add3A_134], %broadcast_in_dim3A_3 : memref<32x1024xf32, #tpu.memory_space<vmem>>[vector<16xi32>, vector<16xi32>], vector<16xf32>,
        %scan3A_166 = arith.constant 0 : i32
        %scan3A_167 = arith.constant 3 : i32
        %scan3A_168 = arith.addi %scan3A_61, %scan3A_167 : i32
        %mul3A_169 = arith.constant 16 : i32
        %mul3A_170 = arith.muli %scan3A_168, %mul3A_169 : i32
        %add3A_171 = vector.broadcast %mul3A_170 : i32 to vector<16xi32>
        %add3A_172 = arith.addi %add3A_171, %iota3A : vector<16xi32>
        %mul3A_173 = arith.constant 16 : i32
        %mul3A_174 = arith.muli %scan3A_168, %mul3A_173 : i32
        %get3A_175 = arith.index_cast %mul3A_174 : i32 to index
        %get3A_176 = tpu.vector_load %arg13[%get3A_175] {strides = array<i32>} : memref<1024xi32, #tpu.memory_space<vmem>>, vector<16xi32>,
        tpu.vector_store_idx %arg11[%get3A_176, %add3A_172], %broadcast_in_dim3A_5 : memref<32x1024xf32, #tpu.memory_space<vmem>>[vector<16xi32>, vector<16xi32>], vector<16xf32>,
        %mul3A_177 = arith.constant 16 : i32
        %mul3A_178 = arith.muli %scan3A_168, %mul3A_177 : i32
        %get3A_179 = arith.index_cast %add3A_43 : i32 to index
        %get3A_180 = arith.index_cast %mul3A_178 : i32 to index
        %get3A_181 = tpu.vector_load %arg7[%get3A_179, %get3A_180] {strides = array<i32>} : memref<32x1024xf32, #tpu.memory_space<vmem>>, vector<16xf32>,
        %sub3A_182 = arith.constant -3.250000e+00 : f32
        %sub3A_183 = vector.broadcast %sub3A_182 : f32 to vector<16xf32>
        %sub3A_184 = arith.subf %get3A_181, %sub3A_183 : vector<16xf32>
        %mul3A_185 = arith.constant 1.600000e+01 : f32
        %mul3A_186 = vector.broadcast %mul3A_185 : f32 to vector<16xf32>
        %mul3A_187 = arith.mulf %sub3A_184, %mul3A_186 : vector<16xf32>
        %convert_element_type3A_188 = arith.fptosi %mul3A_187 : vector<16xf32> to vector<16xi32>
        %max3A_189 = arith.constant 0 : i32
        %max3A_190 = vector.broadcast %max3A_189 : i32 to vector<16xi32>
        %max3A_191 = arith.maxsi %convert_element_type3A_188, %max3A_190 : vector<16xi32>
        %min3A_192 = arith.constant 127 : i32
        %min3A_193 = vector.broadcast %min3A_192 : i32 to vector<16xi32>
        %min3A_194 = arith.minsi %max3A_191, %min3A_193 : vector<16xi32>
        %gather3A_195 = tpu.vector_load_idx %arg8[%min3A_194] : memref<128xi32, #tpu.memory_space<vmem>>[vector<16xi32>], vector<16xi32>,
        %gather3A_196 = tpu.vector_load_idx %arg9[%min3A_194] : memref<128xf32, #tpu.memory_space<vmem>>[vector<16xi32>], vector<16xf32>,
        %le3A_197 = arith.cmpf ole, %get3A_181, %gather3A_196 : vector<16xf32>
        %convert_element_type3A_198 = arith.extui %le3A_197 : vector<16xi1> to vector<16xi32>
        %add3A_199 = arith.addi %gather3A_195, %convert_element_type3A_198 : vector<16xi32>
        %mul3A_200 = arith.constant 16 : i32
        %mul3A_201 = arith.muli %scan3A_168, %mul3A_200 : i32
        %swap3A_202 = arith.index_cast %mul3A_201 : i32 to index
        %swap3A_203 = tpu.vector_load %arg13[%swap3A_202] {strides = array<i32>} : memref<1024xi32, #tpu.memory_space<vmem>>, vector<16xi32>,
        tpu.vector_store %arg13[%swap3A_202], %add3A_199 {strides = array<i32>} : memref<1024xi32, #tpu.memory_space<vmem>>, vector<16xi32>,
        tpu.vector_store_idx %arg11[%add3A_199, %add3A_172], %broadcast_in_dim3A_3 : memref<32x1024xf32, #tpu.memory_space<vmem>>[vector<16xi32>, vector<16xi32>], vector<16xf32>,
        %scan3A_204 = arith.constant 0 : i32
        scf.yield %scan3A_204 : i32
      }
      %scan3A_51 = arith.constant 64 : i32
      %dma_start3A_52 = arith.constant 0 : i32
      %dma_start3A_53 = arith.constant 0 : i32
      %dma_start3A_54 = tpu.memref_slice %arg6[%add3A_44, %dma_start3A_52, %dma_start3A_53] : memref<1024x32x1024xf32, #tpu.memory_space<hbm>> -> memref<1x32x1024xf32, #tpu.memory_space<hbm>>
      %dma_start3A_55 = tpu.memref_squeeze %dma_start3A_54 : memref<1x32x1024xf32, #tpu.memory_space<hbm>> -> memref<32x1024xf32, #tpu.memory_space<hbm>>
      %dma_start3A_56 = arith.constant 0 : i32
      %dma_start3A_57 = arith.constant 0 : i32
      %dma_start3A_58 = tpu.memref_slice %arg6[%add3A_44, %dma_start3A_56, %dma_start3A_57] : memref<1024x32x1024xf32, #tpu.memory_space<hbm>> -> memref<1x32x1024xf32, #tpu.memory_space<hbm>>
      %dma_start3A_59 = tpu.memref_squeeze %dma_start3A_58 : memref<1x32x1024xf32, #tpu.memory_space<hbm>> -> memref<32x1024xf32, #tpu.memory_space<hbm>>
      tpu.enqueue_dma source(%arg11 : memref<32x1024xf32, #tpu.memory_space<vmem>>) target(%dma_start3A_59 : memref<32x1024xf32, #tpu.memory_space<hbm>>) target_semaphore(%arg15 : memref<!tpu.dma_semaphore, #tpu.memory_space<semaphore_mem>>)
      %scan3A_60 = arith.constant 0 : i32
      scf.yield %scan3A_60 : i32
    }
    %scan3A_20 = arith.constant 16 : i32
    tpu.wait_dma2 semaphore(%arg14 : memref<!tpu.dma_semaphore, #tpu.memory_space<semaphore_mem>>) src(%arg3 : memref<32x1024xf32, #tpu.memory_space<hbm>>) dst(%arg10 : memref<32x1024xf32, #tpu.memory_space<vmem>>)
    tpu.wait_dma2 semaphore(%arg15 : memref<!tpu.dma_semaphore, #tpu.memory_space<semaphore_mem>>) src(%arg3 : memref<32x1024xf32, #tpu.memory_space<hbm>>) dst(%arg11 : memref<32x1024xf32, #tpu.memory_space<vmem>>)
    return
  }
}

</mosaic_0001>

<sc_bundles>
// kernel: kernel.3.cloned.1.call-start
scs
__scs_entry_jumppad:
0x0: {  	(pc) =	sbr.rel $0x88, $3  }
0x1: {  	(tag) =	ssettag $0x0;
	lr =	simm.s32 $0x1  }
0x2: {  	[smem:$0x3FA0] =	sst lr;
	_ =	strace $0xD0000000  }
0x3: {  	_ = 	snop  }
0x4: {  	_ = 	snop  }
0x5: {  	_ = 	snop  }
0x6: {  	_ = 	snop  }
0x7: {  	_ = 	snop  }
__scs_overlays_trampoline_lowered:
0x8: {  	[smem:$0x3FAF] =	sst s0  }
0x9: {  	[smem:$0x3FB0] =	sst s1  }
0xa: {  	[smem:$0x3FB1] =	sst s2  }
0xb: {  	[smem:$0x3FB2] =	sst s3  }
0xc: {  	[smem:$0x3FB3] =	sst s4  }
0xd: {  	[smem:$0x3FB4] =	sst s5  }
0xe: {  	[smem:$0x3FB5] =	sst s6  }
0xf: {  	[smem:$0x3FB6] =	sst s7  }
0x10: {  	[smem:$0x3FB7] =	sst s8  }
0x11: {  	[smem:$0x3FB8] =	sst s9;
	s0 =	simm.s32 @!p0 $0x0  }
0x12: {  	s1 =	sld [smem:$0x3F9E];
	s0 =	simm.s32 @p0 $0x1  }
0x13: {  	[smem:$0x3FB9] =	sst s0;
	s0 =	simm.s32 @!p1 $0x0  }
0x14: {  	s2 =	sld [smem:$0x3F9D];
	s0 =	simm.s32 @p1 $0x1  }
0x15: {  	[smem:$0x3FBA] =	sst s0;
	s0 =	simm.s32 @!p2 $0x0  }
0x16: {  	s3 =	sld [smem:$0x3FDB];
	s0 =	simm.s32 @p2 $0x1  }
0x17: {  	s4 =	simm.s32 $0x1BF5;
	[smem:$0x3FBC] =	sst s0  }
0x18: {  	s0 =	sld [smem:$0x3F9F];
	_ =	swait.ge [sflag:s4], $0x0  }
0x19: {  	s7 =	sld [smem:$0x3FA0]  }
0x1a: {  	s8 =	sadd.s32 $0xFFFFE003, lr  }
0x1b: {  	s9 =	sadd.s32 $0xFFFFFEF7, lr;
	s5 =	simm.s32 $0xFFFFFFFF;
	p2 =	slt.u32 s8, $0xFFFFF086  }
0x1c: {  	p1 =	slt.u32 s9, $0xF7A;
	s5 =	simm.s32 @!p2 $0x0  }
0x1d: {  	s5 =	simm.s32 @p1 $0x1;
	p0 =	seq.s32 s7, s2  }
0x1e: {  	s7 =	smul.u32 @!p0 $0xF7A, s2;
	p2 =	seq.s32 @!p0 s5, $0x0  }
0x1f: {  	s9 =	smul.u32 $0xF7A, s1;
	s8 =	simm.s32 @!p0 $0x1BF5;
	p2 =	por !p2, p0  }
0x20: {  	[sflag:s8] =	ssyncset.s32 @!p0 $0xFFFFF086;
	s6 =	sadd.s32 @!p0 s3, s7;
	s7 =	simm.s32 @!p0 $0x108  }
0x21: {  	s3 =	sadd.s32 s3, s9;
	s6 =	sadd.s32 @!p0 $0x88, s6;
	s7 =	simm.s32 @p2 $0x1082  }
0x22: {  	[simem:s7], [sflag:s8] =	dma.local @!p0 [hbm:s6], $0xF7A  }
0x23: {  	s9 =	sor.u32 $0xD0000000, s2;
	s6 =	simm.s32 $0x108;
	_ =	swait.ge @!p0 [sflag:s8], $0x0  }
0x24: {  	s3 =	sadd.s32 $0x88, s3;
	s6 =	simm.s32 @!p1 $0x1082;
	[sflag:s4] =	ssyncset.s32 $0xFFFFF086  }
0x25: {  	[simem:s6], [sflag:s4] =	dma.local [hbm:s3], $0xF7A  }
0x26: {  	[smem:$0x3FA0] =	sst s1;
	(tag) =	ssettag s2;
	_ =	strace s9  }
0x27: {  	s1 =	sld [smem:$0x3FB0]  }
0x28: {  	s2 =	sld [smem:$0x3FB1]  }
0x29: {  	s4 =	sld [smem:$0x3FB3]  }
0x2a: {  	p0 =	seq.s32 s5, $0x0;
	s5 =	sld [smem:$0x3FB4]  }
0x2b: {  	s6 =	sld [smem:$0x3FB5]  }
0x2c: {  	s7 =	sld [smem:$0x3FB6]  }
0x2d: {  	s3 =	simm.s32 $0x108;
	s8 =	sld [smem:$0x3FB7]  }
0x2e: {  	s3 =	simm.s32 @!p0 $0x1082;
	s9 =	sld [smem:$0x3FB8]  }
0x2f: {  	lr =	sadd.s32 s0, s3;
	s0 =	sld [smem:$0x3FAF]  }
0x30: {  	s3 =	sld [smem:$0x3FB2]  }
0x31: {  	[smem:$0x3FBB] =	sst s10  }
0x32: {  	s10 =	sld [smem:$0x3FB9];
	_ =	sdelay $0x3  }
0x33: {  	p0 =	seq.s32 s10, $0x1;
	s10 =	sld [smem:$0x3FBB];
	_ =	sdelay $0x3  }
0x34: {  	[smem:$0x3FBB] =	sst s10  }
0x35: {  	s10 =	sld [smem:$0x3FBA];
	_ =	sdelay $0x3  }
0x36: {  	p1 =	seq.s32 s10, $0x1;
	s10 =	sld [smem:$0x3FBB];
	_ =	sdelay $0x3  }
0x37: {  	[smem:$0x3FBB] =	sst s10  }
0x38: {  	s10 =	sld [smem:$0x3FBC]  }
0x39: {  	_ = 	snop;
	(pc) =	sbr.ind lr, $3  }
0x3a: {  	_ = 	snop  }
0x3b: {  	_ = 	snop  }
0x3c: {  	p2 =	seq.s32 s10, $0x1;
	s10 =	sld [smem:$0x3FBB]  }
0x3d: {  	_ =	shalt  }
0x3e: {  	_ =	shalt  }
0x3f: {  	_ =	shalt  }
0x40: {  	_ =	shalt  }
0x41: {  	_ =	shalt  }
0x42: {  	_ =	shalt  }
0x43: {  	_ =	shalt  }
0x44: {  	_ =	shalt  }
0x45: {  	_ =	shalt  }
0x46: {  	_ =	shalt  }
0x47: {  	_ =	shalt  }
0x48: {  	_ =	shalt  }
0x49: {  	_ =	shalt  }
0x4a: {  	_ =	shalt  }
0x4b: {  	_ =	shalt  }
0x4c: {  	_ =	shalt  }
0x4d: {  	_ =	shalt  }
0x4e: {  	_ =	shalt  }
0x4f: {  	_ =	shalt  }
0x50: {  	_ =	shalt  }
0x51: {  	_ =	shalt  }
0x52: {  	_ =	shalt  }
0x53: {  	_ =	shalt  }
0x54: {  	_ =	shalt  }
0x55: {  	_ =	shalt  }
0x56: {  	_ =	shalt  }
0x57: {  	_ =	shalt  }
0x58: {  	_ =	shalt  }
0x59: {  	_ =	shalt  }
0x5a: {  	_ =	shalt  }
0x5b: {  	_ =	shalt  }
0x5c: {  	_ =	shalt  }
0x5d: {  	_ =	shalt  }
0x5e: {  	_ =	shalt  }
0x5f: {  	_ =	shalt  }
0x60: {  	_ =	shalt  }
0x61: {  	_ =	shalt  }
0x62: {  	_ =	shalt  }
0x63: {  	_ =	shalt  }
0x64: {  	_ =	shalt  }
0x65: {  	_ =	shalt  }
0x66: {  	_ =	shalt  }
0x67: {  	_ =	shalt  }
0x68: {  	_ =	shalt  }
0x69: {  	_ =	shalt  }
0x6a: {  	_ =	shalt  }
0x6b: {  	_ =	shalt  }
0x6c: {  	_ =	shalt  }
0x6d: {  	_ =	shalt  }
0x6e: {  	_ =	shalt  }
0x6f: {  	_ =	shalt  }
0x70: {  	_ =	shalt  }
0x71: {  	_ =	shalt  }
0x72: {  	_ =	shalt  }
0x73: {  	_ =	shalt  }
0x74: {  	_ =	shalt  }
0x75: {  	_ =	shalt  }
0x76: {  	_ =	shalt  }
0x77: {  	_ =	shalt  }
0x78: {  	_ =	shalt  }
0x79: {  	_ =	shalt  }
0x7a: {  	_ =	shalt  }
0x7b: {  	_ =	shalt  }
0x7c: {  	_ =	shalt  }
0x7d: {  	_ =	shalt  }
0x7e: {  	_ =	shalt  }
0x7f: {  	_ =	shalt  }
0x80: {  	_ =	shalt  }
0x81: {  	_ =	shalt  }
0x82: {  	_ =	shalt  }
0x83: {  	_ =	shalt  }
0x84: {  	_ =	shalt  }
0x85: {  	_ =	shalt  }
0x86: {  	_ =	shalt  }
0x87: {  	_ =	shalt  }
.Lfunc_end0:
.L_simem_size_0:
called_computation_lowered:
.L_overlay_start_0:
0x88: {  	s2 =	sld [smem:$0x3FD9]  }
0x89: {  	s3 =	sld [smem:$0x3FFE];
	_ =	sdelay $0x1  }
0x8a: {  	s1 =	srdreg.scid  }
0x8b: {  	s0 =	sand.u32 $0x1, s1  }
0x8c: {  	s17 =	sshll.u32 s0, $0xA;
	s2 =	sadd.s32 s3, s2  }
0x8d: {  	s2 =	sadd.s32 s2, s17  }
0x8e: {  	[smem:$0x3FC7] =	sst s2  }
0x8f: {  	_ = 	snop  }
0x90: {  	s2 =	sld [smem:$0x3FC9]  }
0x91: {  	s18 =	sld [smem:$0x3FD0];
	(tm) =	ssettm $0x1  }
0x92: {  	s4 =	sld [smem:$0x3FFB];
	_ =	sdelay $0x3  }
0x93: {  	_ =	strace s4  }
0x94: {  	s4 =	sld [smem:$0x3FFC];
	_ =	sdelay $0x3  }
0x95: {  	_ =	strace s4  }
0x96: {  	s4 =	sld [smem:$0x3FFD];
	_ =	sdelay $0x3  }
0x97: {  	_ =	strace s4  }
0x98: {  	_ =	strace $0x8FFFFFFF  }
0x99: {  	s19 =	sld [smem:$0x3FDB];
	_ =	sdelay $0x1  }
0x9a: {  	s5 =	simm.s32 $_scs_section_size  }
0x9b: {  	s6 =	simm.s32 $_size__tile_overlayer_lowered;
	s7 =	simm.s32 $_tile_overlayer_lowered  }
0x9c: {  	s22 =	simm.s32 $0x1BFF;
	s21 =	sshll.u32 s7, $0x1;
	s4 =	sadd.s32 s5, s19  }
0x9d: {  	s8 =	simm.s32 $0x0;
	s20 =	sshll.u32 s6, $0x1;
	s6 =	sadd.s32 s21, s4  }
0x9e: {  	[timem:s8], [sflag:s22] =	dma.local [hbm:s6], s20  }
0x9f: {  	_ =	swait.ge [sflag:s22], s20  }
0xa0: {  	s5 =	ssub.s32 $0x0, s20;
	[sflag:s22] =	ssyncset.done $0x0  }
0xa1: {  	[sflag:s22] =	ssyncadd.s32 s5;
	_ =	sdelay $0x1  }
0xa2: {  	s23 =	simm.s32 $0x1B8B  }
0xa3: {  	_ =	swait.ge [sflag:s23], $0x1  }
0xa4: {  	[sflag:s23] =	ssyncset.done $0x0  }
0xa5: {  	s25 =	simm.s32 $0x1B8E;
	s24 =	sld [smem:$0x3FFE];
	[sflag:s23] =	ssyncadd.s32 $0xFFFFFFFF  }
0xa6: {  	s26 =	simm.s32 $execute0_lowered;
	[smem:$0x3FD2] =	sst s25  }
0xa7: {  	s6 =	sshll.u32 s26, $0x1;
	_ =	strace $0x80000046;
	[dreg:$0x1] =	wrdreg $0xFFFFFFFF  }
0xa8: {  	s28 =	simm.s32 $_size_execute0_lowered;
	s4 =	sadd.s32 s4, s6;
	[dreg:$0x0] =	wrdreg $0x0  }
0xa9: {  	s6 =	sshll.u32 s28, $0x1;
	[dreg:$0x2] =	wrdreg s4  }
0xaa: {  	[dreg:$0x3] =	wrdreg s6  }
0xab: {  	[dreg:$0x4] =	wrdreg $0xC0  }
0xac: {  	_ =	task [dreg:s8], $0x5FFFF  }
0xad: {  	[dreg:$0x1] =	wrdreg $0xFFFFFFFF  }
0xae: {  	[dreg:$0x0] =	wrdreg $0x60  }
0xaf: {  	[dreg:$0x2] =	wrdreg s2  }
0xb0: {  	[dreg:$0x3] =	wrdreg s24  }
0xb1: {  	[dreg:$0x4] =	wrdreg s18  }
0xb2: {  	[dreg:$0x5] =	wrdreg $0x9  }
0xb3: {  	_ =	task.clear_ibuf [dreg:s8], $0x6FFFF;
	_ =	strace $0x90000046  }
0xb4: {  	s29 =	simm.s32 $0x9;
	_ =	strace $0x80000048  }
0xb5: {  	_ =	swait.ge [sflag:s29], $0x1  }
0xb6: {  	[sflag:s29] =	ssyncadd.s32 $0xFFFFFFFF  }
0xb7: {  	_ =	strace $0x90000048  }
0xb8: {  	_ =	sfence  }
0xb9: {  	s30 =	sld [smem:$0x0];
	_ =	sdelay $0x2  }
0xba: {  	s31 =	sshll.u32 s1, $0xD;
	s1 =	sshrl.u32 s1, $0x2  }
0xbb: {  	s3 =	sand.u32 $0x4000, s31;
	s1 =	sadd.s32 s1, s30  }
0xbc: {  	s0 =	sor.u32 s3, s0;
	s1 =	sshll.u32 s1, $0x11  }
0xbd: {  	s0 =	sor.u32 s1, s0  }
0xbe: {  	s0 =	sadd.s32 $0x8F2B, s0  }
0xbf: {  	[sflag:s0] =	ssyncadd.remote.s32 $0x1  }
0xc0: {  	_ =	sfence.sel $0xFFFF  }
0xc1: {  	[dreg:$0x0] =	wrdreg $0xFFFFFFFF;
	(pc) =	sbr.abs _section_cstart, $3  }
0xc2: {  	[dreg:$0x1] =	wrdreg $0xFFFFFFFF  }
0xc3: {  	_ =	task.clear_ibuf [dreg:s8], $0x2FFFF;
	_ =	strace $0x9FFFFFFF  }
0xc4: {  	(tm) =	ssettm $0x7FFFFFFF  }
0xc5: {  	_ =	shalt  }
tec
execute0_lowered:
.L_overlay_start_1:
0x0: {  	(tag) =	ssettag $0x1  }
0x1: {  	s8 =	rddreg [dreg:$0x0]  }
0x2: {  	s7 =	rddreg [dreg:$0x1]  }
0x3: {  	s1 =	rddreg [dreg:$0x2]  }
0x4: {  	s0 =	rddreg [dreg:$0x3];
	s3 =	simm.s32 $0x0;
	s4 =	srdreg.scid  }
0x5: {  	s2 =	stileid.u32;
	s12 =	simm.s32 $0x8080;
	s13 =	simm.s32 $0x8100  }
0x6: {  	s14 =	simm.s32 $0x10100;
	s15 =	simm.s32 $0x1;
	s16 =	simm.s32 $0x2  }
0x7: {  	s17 =	simm.s32 $0x0;
	[smem:$0x7FF] =	sst s3;
	s5 =	sand.u32 $0x1, s4  }
0x8: {  	s6 =	sshll.u32 s2, $0x6;
	s4 =	sadd.s32 $0x800, s7;
	s9 =	sshll.u32 s5, $0x5  }
0x9: {  	_ =	strace $0x80000047;
	s10 =	ssub.s32 $0x2, s5;
	s5 =	sor.u32 s9, s6  }
0xa: {  	s6 =	sadd.s32 $0x600, s7;
	s31 =	sshrl.u32 s10, $0x1;
	s7 =	sadd.s32 $0x400, s7  }
0xb: {  	v0 =	vimm.s32 $0x0;
	s11 =	sshll.u32 s5, $0x7;
	s9 =	ssub.s32 s10, s31;
	s10 =	simm.s32 $0x8000  }
0xc: {  	v1 =	vlaneseq.u32;
	v2 =	vimm.f32 $0.0e+00;
	v3 =	vimm.f32 $1.000000000e+00;
	s8 =	sadd.s32 s8, s11;
	s9 =	smax.u32 s9, $0x1;
	s11 =	simm.s32 $0x3  }
.LBB2_1:
0xd: {  	[tilespmem:s10], [sflag:$0x3] =	stream.linear.gather [hbm4b:s6+s3], $0x80, $0x38;
	[tilespmem:$0x18900] =	vst v63  }
0xe: {  	_ =	swait.ge [sflag:s11], $0x80  }
0xf: {  	[sflag:s11] =	ssyncset.done $0x0  }
0x10: {  	[sflag:s11] =	ssyncadd.s32 $0xFFFFFF80  }
0x11: {  	[tilespmem:s12], [sflag:$0x3] =	stream.linear.gather [hbm4b:s7+s3], $0x80, $0x38;
	[tilespmem:$0x18900] =	vst v63  }
0x12: {  	_ =	swait.ge [sflag:s11], $0x80  }
0x13: {  	[sflag:s11] =	ssyncset.done $0x0  }
0x14: {  	[sflag:s11] =	ssyncadd.s32 $0xFFFFFF80  }
0x15: {  	[tilespmem:s3], [sflag:$0x3] =	stream.linear.gather [hbm4b:s8+s3], $0x8000, $0x38;
	[tilespmem:$0x18900] =	vst v63  }
0x16: {  	_ =	swait.ge [sflag:s11], $0x8000  }
0x17: {  	[sflag:s11] =	ssyncset.done $0x0  }
0x18: {  	[sflag:s11] =	ssyncadd.s32 $0xFFFF8000  }
0x19: {  	[tilespmem:s13], [sflag:$0x1] =	stream.linear.gather [hbm4b:s4+s3], $0x8000, $0x38;
	[tilespmem:$0x18900] =	vst v63  }
0x1a: {  	_ = 	snop  }
0x1b: {  	[tilespmem:s14], [sflag:$0x2] =	stream.linear.gather [hbm4b:s4+s3], $0x8000, $0x38;
	[tilespmem:$0x18900] =	vst v63  }
0x1c: {  	[tilespmem:$0x18100] =	vst v0  }
0x1d: {  	[tilespmem:$0x18500] =	vst v0  }
0x1e: {  	[tilespmem:$0x18110] =	vst v0  }
0x1f: {  	[tilespmem:$0x18510] =	vst v0  }
0x20: {  	[tilespmem:$0x18120] =	vst v0  }
0x21: {  	[tilespmem:$0x18520] =	vst v0  }
0x22: {  	[tilespmem:$0x18130] =	vst v0  }
0x23: {  	[tilespmem:$0x18530] =	vst v0  }
0x24: {  	[tilespmem:$0x18140] =	vst v0  }
0x25: {  	[tilespmem:$0x18540] =	vst v0  }
0x26: {  	[tilespmem:$0x18150] =	vst v0  }
0x27: {  	[tilespmem:$0x18550] =	vst v0  }
0x28: {  	[tilespmem:$0x18160] =	vst v0  }
0x29: {  	[tilespmem:$0x18560] =	vst v0  }
0x2a: {  	[tilespmem:$0x18170] =	vst v0  }
0x2b: {  	[tilespmem:$0x18570] =	vst v0  }
0x2c: {  	[tilespmem:$0x18180] =	vst v0  }
0x2d: {  	[tilespmem:$0x18580] =	vst v0  }
0x2e: {  	[tilespmem:$0x18190] =	vst v0  }
0x2f: {  	[tilespmem:$0x18590] =	vst v0  }
0x30: {  	[tilespmem:$0x181A0] =	vst v0  }
0x31: {  	[tilespmem:$0x185A0] =	vst v0  }
0x32: {  	[tilespmem:$0x181B0] =	vst v0  }
0x33: {  	[tilespmem:$0x185B0] =	vst v0  }
0x34: {  	[tilespmem:$0x181C0] =	vst v0  }
0x35: {  	[tilespmem:$0x185C0] =	vst v0  }
0x36: {  	[tilespmem:$0x181D0] =	vst v0  }
0x37: {  	[tilespmem:$0x185D0] =	vst v0  }
0x38: {  	[tilespmem:$0x181E0] =	vst v0  }
0x39: {  	[tilespmem:$0x185E0] =	vst v0  }
0x3a: {  	[tilespmem:$0x181F0] =	vst v0  }
0x3b: {  	[tilespmem:$0x185F0] =	vst v0  }
0x3c: {  	[tilespmem:$0x18200] =	vst v0  }
0x3d: {  	[tilespmem:$0x18600] =	vst v0  }
0x3e: {  	[tilespmem:$0x18210] =	vst v0  }
0x3f: {  	[tilespmem:$0x18610] =	vst v0  }
0x40: {  	[tilespmem:$0x18220] =	vst v0  }
0x41: {  	[tilespmem:$0x18620] =	vst v0  }
0x42: {  	[tilespmem:$0x18230] =	vst v0  }
0x43: {  	[tilespmem:$0x18630] =	vst v0  }
0x44: {  	[tilespmem:$0x18240] =	vst v0  }
0x45: {  	[tilespmem:$0x18640] =	vst v0  }
0x46: {  	[tilespmem:$0x18250] =	vst v0  }
0x47: {  	[tilespmem:$0x18650] =	vst v0  }
0x48: {  	[tilespmem:$0x18260] =	vst v0  }
0x49: {  	[tilespmem:$0x18660] =	vst v0  }
0x4a: {  	[tilespmem:$0x18270] =	vst v0  }
0x4b: {  	[tilespmem:$0x18670] =	vst v0  }
0x4c: {  	[tilespmem:$0x18280] =	vst v0  }
0x4d: {  	[tilespmem:$0x18680] =	vst v0  }
0x4e: {  	[tilespmem:$0x18290] =	vst v0  }
0x4f: {  	[tilespmem:$0x18690] =	vst v0  }
0x50: {  	[tilespmem:$0x182A0] =	vst v0  }
0x51: {  	[tilespmem:$0x186A0] =	vst v0  }
0x52: {  	[tilespmem:$0x182B0] =	vst v0  }
0x53: {  	[tilespmem:$0x186B0] =	vst v0  }
0x54: {  	[tilespmem:$0x182C0] =	vst v0  }
0x55: {  	[tilespmem:$0x186C0] =	vst v0  }
0x56: {  	[tilespmem:$0x182D0] =	vst v0  }
0x57: {  	[tilespmem:$0x186D0] =	vst v0  }
0x58: {  	[tilespmem:$0x182E0] =	vst v0  }
0x59: {  	[tilespmem:$0x186E0] =	vst v0  }
0x5a: {  	[tilespmem:$0x182F0] =	vst v0  }
0x5b: {  	[tilespmem:$0x186F0] =	vst v0  }
0x5c: {  	[tilespmem:$0x18300] =	vst v0  }
0x5d: {  	[tilespmem:$0x18700] =	vst v0  }
0x5e: {  	[tilespmem:$0x18310] =	vst v0  }
0x5f: {  	[tilespmem:$0x18710] =	vst v0  }
0x60: {  	[tilespmem:$0x18320] =	vst v0  }
0x61: {  	[tilespmem:$0x18720] =	vst v0  }
0x62: {  	[tilespmem:$0x18330] =	vst v0  }
0x63: {  	[tilespmem:$0x18730] =	vst v0  }
0x64: {  	[tilespmem:$0x18340] =	vst v0  }
0x65: {  	[tilespmem:$0x18740] =	vst v0  }
0x66: {  	[tilespmem:$0x18350] =	vst v0  }
0x67: {  	[tilespmem:$0x18750] =	vst v0  }
0x68: {  	[tilespmem:$0x18360] =	vst v0  }
0x69: {  	[tilespmem:$0x18760] =	vst v0  }
0x6a: {  	[tilespmem:$0x18370] =	vst v0  }
0x6b: {  	[tilespmem:$0x18770] =	vst v0  }
0x6c: {  	[tilespmem:$0x18380] =	vst v0  }
0x6d: {  	[tilespmem:$0x18780] =	vst v0  }
0x6e: {  	[tilespmem:$0x18390] =	vst v0  }
0x6f: {  	[tilespmem:$0x18790] =	vst v0  }
0x70: {  	[tilespmem:$0x183A0] =	vst v0  }
0x71: {  	[tilespmem:$0x187A0] =	vst v0  }
0x72: {  	[tilespmem:$0x183B0] =	vst v0  }
0x73: {  	[tilespmem:$0x187B0] =	vst v0  }
0x74: {  	[tilespmem:$0x183C0] =	vst v0  }
0x75: {  	[tilespmem:$0x187C0] =	vst v0  }
0x76: {  	[tilespmem:$0x183D0] =	vst v0  }
0x77: {  	[tilespmem:$0x187D0] =	vst v0  }
0x78: {  	[tilespmem:$0x183E0] =	vst v0  }
0x79: {  	[tilespmem:$0x187E0] =	vst v0  }
0x7a: {  	[tilespmem:$0x183F0] =	vst v0  }
0x7b: {  	[tilespmem:$0x187F0] =	vst v0  }
0x7c: {  	[tilespmem:$0x18400] =	vst v0  }
0x7d: {  	[tilespmem:$0x18800] =	vst v0  }
0x7e: {  	[tilespmem:$0x18410] =	vst v0  }
0x7f: {  	[tilespmem:$0x18810] =	vst v0  }
0x80: {  	[tilespmem:$0x18420] =	vst v0  }
0x81: {  	[tilespmem:$0x18820] =	vst v0  }
0x82: {  	[tilespmem:$0x18430] =	vst v0  }
0x83: {  	[tilespmem:$0x18830] =	vst v0  }
0x84: {  	[tilespmem:$0x18440] =	vst v0  }
0x85: {  	[tilespmem:$0x18840] =	vst v0  }
0x86: {  	[tilespmem:$0x18450] =	vst v0  }
0x87: {  	[tilespmem:$0x18850] =	vst v0  }
0x88: {  	[tilespmem:$0x18460] =	vst v0  }
0x89: {  	[tilespmem:$0x18860] =	vst v0  }
0x8a: {  	[tilespmem:$0x18470] =	vst v0  }
0x8b: {  	[tilespmem:$0x18870] =	vst v0  }
0x8c: {  	[tilespmem:$0x18480] =	vst v0  }
0x8d: {  	[tilespmem:$0x18880] =	vst v0  }
0x8e: {  	[tilespmem:$0x18490] =	vst v0  }
0x8f: {  	[tilespmem:$0x18890] =	vst v0  }
0x90: {  	[tilespmem:$0x184A0] =	vst v0  }
0x91: {  	[tilespmem:$0x188A0] =	vst v0  }
0x92: {  	[tilespmem:$0x184B0] =	vst v0  }
0x93: {  	[tilespmem:$0x188B0] =	vst v0  }
0x94: {  	[tilespmem:$0x184C0] =	vst v0  }
0x95: {  	[tilespmem:$0x188C0] =	vst v0  }
0x96: {  	[tilespmem:$0x184D0] =	vst v0  }
0x97: {  	[tilespmem:$0x188D0] =	vst v0  }
0x98: {  	[tilespmem:$0x184E0] =	vst v0  }
0x99: {  	[tilespmem:$0x188E0] =	vst v0  }
0x9a: {  	[tilespmem:$0x184F0] =	vst v0  }
0x9b: {  	s18 =	simm.s32 $0x0;
	[tilespmem:$0x188F0] =	vst v0  }
.LBB2_2:
0x9c: {  	_ =	swait.ge [sflag:s15], $0x8000;
	s19 =	sshll.u32 s18, $0xB  }
0x9d: {  	s20 =	sshll.u32 s18, $0x8;
	s21 =	simm.s32 $0x0;
	s22 =	simm.s32 $0x18120  }
0x9e: {  	[sflag:s15] =	ssyncset.done $0x0;
	s19 =	sand.u32 $0x6000, s19;
	s23 =	sand.u32 $0x300, s20  }
0x9f: {  	s20 =	simm.s32 $0xFFFFFFFC;
	[sflag:s15] =	ssyncadd.s32 $0xFFFF8000;
	v4 =	vmov s23;
	s23 =	simm.s32 $0x0  }
.LBB2_3:
0xa0: {  	v5 =	vld [tilespmem:s22+$0xFFFFFFE0];
	_ =	sdelay $0x4  }
0xa1: {  	v6 =	vmov s21;
	v7 =	vshll.u32 v5, $0xA;
	v5 =	vshll.u32 v5, $0x7  }
0xa2: {  	v6 =	vshll.u32 v6, $0x3;
	v7 =	vand.u32 $0xFFFFE000, v7;
	v5 =	vand.u32 $0x380, v5  }
0xa3: {  	v8 =	vor.u32 s21, v1;
	v6 =	vand.u32 $0x1C00, v6;
	v5 =	vor.u32 v7, v5  }
0xa4: {  	v7 =	vand.u32 $0x4F, v8;
	v5 =	vor.u32 v6, v5  }
0xa5: {  	v5 =	vor.u32 v7, v5;
	_ =	sdelay $0x2  }
0xa6: {  	s24 =	sand.u32 $0x1C00, s23  }
0xa7: {  	s25 =	sand.u32 $0x40, s21;
	s24 =	sadd.s32 s24, s19  }
0xa8: {  	s25 =	sadd.s32 s25, s24;
	[tilespmem:v5+s13+$0x0] =	vst.idx.msk $0xffff, v2  }
0xa9: {  	v5 =	vld.idx.msk [tilespmem:v4+s25+$0x0 ss:$0x1], $0xffff;
	_ =	sdelay $0x4  }
0xaa: {  	v50 =	vadd.f32 $3.250000000e+00, v5;
	_ =	sdelay $0x1  }
0xab: {  	v8 =	vmul.f32 $1.600000000e+01, v50;
	_ =	sdelay $0x1  }
0xac: {  	v8 =	vtrunc.f32 v8  }
0xad: {  	v8 =	vcvt.f32.s32 v8;
	_ =	sdelay $0x1  }
0xae: {  	vm0 =	vgt.s32 v8, $0x0  }
0xaf: {  	v8 =	vnsel vm0, $0x0, v8  }
0xb0: {  	v8 =	vmin.u32 v8, $0x7F;
	_ =	sdelay $0x4  }
0xb1: {  	v9 =	vld.idx.msk [tilespmem:v8+s12+$0x0], $0xffff;
	_ =	sdelay $0x1  }
0xb2: {  	v8 =	vld.idx.msk [tilespmem:v8+s10+$0x0], $0xffff;
	_ =	sdelay $0x2  }
0xb3: {  	vm9 =	vle.f32 v5, v9  }
0xb4: {  	v5 =	vsel vm9, $0x1, v0  }
0xb5: {  	v5 =	vadd.s32 v5, v8  }
0xb6: {  	v8 =	vshll.u32 v5, $0xA;
	v51 =	vshll.u32 v5, $0x7  }
0xb7: {  	v8 =	vand.u32 $0xFFFFE000, v8;
	v9 =	vand.u32 $0x380, v51  }
0xb8: {  	v8 =	vor.u32 v8, v9  }
0xb9: {  	v6 =	vor.u32 v6, v8  }
0xba: {  	v6 =	vor.u32 v7, v6;
	_ =	sdelay $0x3  }
0xbb: {  	[tilespmem:s22+$0xFFFFFFE0] =	vst v5  }
0xbc: {  	[tilespmem:v6+s13+$0x0] =	vst.idx.msk $0xffff, v3  }
0xbd: {  	v5 =	vld [tilespmem:s22+$0xFFFFFFF0];
	_ =	sdelay $0x3  }
0xbe: {  	s29 =	sadd.s32 $0x10, s21  }
0xbf: {  	v6 =	vmov s29;
	v7 =	vshll.u32 v5, $0xA;
	v5 =	vshll.u32 v5, $0x7  }
0xc0: {  	v6 =	vshll.u32 v6, $0x3;
	v7 =	vand.u32 $0xFFFFE000, v7;
	v5 =	vand.u32 $0x380, v5  }
0xc1: {  	v52 =	vor.u32 s29, v1;
	v6 =	vand.u32 $0x1C00, v6;
	v5 =	vor.u32 v7, v5  }
0xc2: {  	v7 =	vand.u32 $0x5F, v52;
	v5 =	vor.u32 v6, v5  }
0xc3: {  	v5 =	vor.u32 v7, v5;
	_ =	sdelay $0x3  }
0xc4: {  	s25 =	sand.u32 $0x50, s29  }
0xc5: {  	s25 =	sadd.s32 s25, s24;
	[tilespmem:v5+s13+$0x0] =	vst.idx.msk $0xffff, v2  }
0xc6: {  	v5 =	vld.idx.msk [tilespmem:v4+s25+$0x0 ss:$0x1], $0xffff;
	_ =	sdelay $0x4  }
0xc7: {  	v53 =	vadd.f32 $3.250000000e+00, v5;
	_ =	sdelay $0x1  }
0xc8: {  	v8 =	vmul.f32 $1.600000000e+01, v53;
	_ =	sdelay $0x1  }
0xc9: {  	v8 =	vtrunc.f32 v8  }
0xca: {  	v8 =	vcvt.f32.s32 v8;
	_ =	sdelay $0x1  }
0xcb: {  	vm10 =	vgt.s32 v8, $0x0  }
0xcc: {  	v8 =	vnsel vm10, $0x0, v8  }
0xcd: {  	v8 =	vmin.u32 v8, $0x7F;
	_ =	sdelay $0x4  }
0xce: {  	v54 =	vld.idx.msk [tilespmem:v8+s12+$0x0], $0xffff;
	_ =	sdelay $0x1  }
0xcf: {  	v8 =	vld.idx.msk [tilespmem:v8+s10+$0x0], $0xffff;
	_ =	sdelay $0x2  }
0xd0: {  	vm11 =	vle.f32 v5, v54  }
0xd1: {  	v5 =	vsel vm11, $0x1, v0  }
0xd2: {  	v5 =	vadd.s32 v5, v8  }
0xd3: {  	v8 =	vshll.u32 v5, $0xA;
	v55 =	vshll.u32 v5, $0x7  }
0xd4: {  	v8 =	vand.u32 $0xFFFFE000, v8;
	v9 =	vand.u32 $0x380, v55  }
0xd5: {  	v8 =	vor.u32 v8, v9  }
0xd6: {  	v6 =	vor.u32 v6, v8  }
0xd7: {  	v6 =	vor.u32 v7, v6;
	_ =	sdelay $0x3  }
0xd8: {  	[tilespmem:s22+$0xFFFFFFF0] =	vst v5  }
0xd9: {  	[tilespmem:v6+s13+$0x0] =	vst.idx.msk $0xffff, v3  }
0xda: {  	v5 =	vld [tilespmem:s22+$0x0];
	_ =	sdelay $0x3  }
0xdb: {  	s30 =	sadd.s32 $0x20, s21  }
0xdc: {  	v6 =	vmov s30;
	v7 =	vshll.u32 v5, $0xA;
	v5 =	vshll.u32 v5, $0x7  }
0xdd: {  	v6 =	vshll.u32 v6, $0x3;
	v7 =	vand.u32 $0xFFFFE000, v7;
	v5 =	vand.u32 $0x380, v5  }
0xde: {  	v56 =	vor.u32 s30, v1;
	v6 =	vand.u32 $0x1C00, v6;
	v5 =	vor.u32 v7, v5  }
0xdf: {  	v7 =	vand.u32 $0x6F, v56;
	v5 =	vor.u32 v6, v5  }
0xe0: {  	v5 =	vor.u32 v7, v5;
	_ =	sdelay $0x3  }
0xe1: {  	s25 =	sand.u32 $0x60, s30  }
0xe2: {  	s25 =	sadd.s32 s25, s24;
	[tilespmem:v5+s13+$0x0] =	vst.idx.msk $0xffff, v2  }
0xe3: {  	v5 =	vld.idx.msk [tilespmem:v4+s25+$0x0 ss:$0x1], $0xffff;
	_ =	sdelay $0x4  }
0xe4: {  	v57 =	vadd.f32 $3.250000000e+00, v5;
	_ =	sdelay $0x1  }
0xe5: {  	v8 =	vmul.f32 $1.600000000e+01, v57;
	_ =	sdelay $0x1  }
0xe6: {  	v8 =	vtrunc.f32 v8  }
0xe7: {  	v8 =	vcvt.f32.s32 v8;
	_ =	sdelay $0x1  }
0xe8: {  	vm12 =	vgt.s32 v8, $0x0  }
0xe9: {  	v8 =	vnsel vm12, $0x0, v8  }
0xea: {  	v8 =	vmin.u32 v8, $0x7F;
	_ =	sdelay $0x4  }
0xeb: {  	v58 =	vld.idx.msk [tilespmem:v8+s12+$0x0], $0xffff;
	_ =	sdelay $0x1  }
0xec: {  	v8 =	vld.idx.msk [tilespmem:v8+s10+$0x0], $0xffff;
	_ =	sdelay $0x2  }
0xed: {  	vm13 =	vle.f32 v5, v58  }
0xee: {  	v5 =	vsel vm13, $0x1, v0  }
0xef: {  	v5 =	vadd.s32 v5, v8  }
0xf0: {  	v8 =	vshll.u32 v5, $0xA;
	v59 =	vshll.u32 v5, $0x7  }
0xf1: {  	v8 =	vand.u32 $0xFFFFE000, v8;
	v9 =	vand.u32 $0x380, v59  }
0xf2: {  	v8 =	vor.u32 v8, v9  }
0xf3: {  	v6 =	vor.u32 v6, v8  }
0xf4: {  	v6 =	vor.u32 v7, v6;
	_ =	sdelay $0x3  }
0xf5: {  	[tilespmem:s22+$0x0] =	vst v5  }
0xf6: {  	[tilespmem:v6+s13+$0x0] =	vst.idx.msk $0xffff, v3  }
0xf7: {  	v5 =	vld [tilespmem:s22+$0x10];
	_ =	sdelay $0x3  }
0xf8: {  	s31 =	sadd.s32 $0x30, s21  }
0xf9: {  	v6 =	vmov s31;
	v7 =	vshll.u32 v5, $0xA;
	v5 =	vshll.u32 v5, $0x7  }
0xfa: {  	v6 =	vshll.u32 v6, $0x3;
	v7 =	vand.u32 $0xFFFFE000, v7;
	v5 =	vand.u32 $0x380, v5  }
0xfb: {  	v60 =	vor.u32 s31, v1;
	v6 =	vand.u32 $0x1C00, v6;
	v5 =	vor.u32 v7, v5  }
0xfc: {  	v7 =	vand.u32 $0x7F, v60;
	v5 =	vor.u32 v6, v5  }
0xfd: {  	v5 =	vor.u32 v7, v5;
	_ =	sdelay $0x3  }
0xfe: {  	s25 =	sand.u32 $0x70, s31  }
0xff: {  	s24 =	sadd.s32 s25, s24;
	[tilespmem:v5+s13+$0x0] =	vst.idx.msk $0xffff, v2  }
0x100: {  	v5 =	vld.idx.msk [tilespmem:v4+s24+$0x0 ss:$0x1], $0xffff;
	_ =	sdelay $0x4  }
0x101: {  	v61 =	vadd.f32 $3.250000000e+00, v5;
	_ =	sdelay $0x1  }
0x102: {  	v8 =	vmul.f32 $1.600000000e+01, v61;
	_ =	sdelay $0x1  }
0x103: {  	v8 =	vtrunc.f32 v8  }
0x104: {  	v8 =	vcvt.f32.s32 v8;
	_ =	sdelay $0x1  }
0x105: {  	vm14 =	vgt.s32 v8, $0x0  }
0x106: {  	v8 =	vnsel vm14, $0x0, v8  }
0x107: {  	v8 =	vmin.u32 v8, $0x7F;
	_ =	sdelay $0x4  }
0x108: {  	v62 =	vld.idx.msk [tilespmem:v8+s12+$0x0], $0xffff;
	_ =	sdelay $0x1  }
0x109: {  	v8 =	vld.idx.msk [tilespmem:v8+s10+$0x0], $0xffff;
	_ =	sdelay $0x2  }
0x10a: {  	vm15 =	vle.f32 v5, v62  }
0x10b: {  	v5 =	vsel vm15, $0x1, v0  }
0x10c: {  	v5 =	vadd.s32 v5, v8  }
0x10d: {  	v8 =	vshll.u32 v5, $0xA;
	v63 =	vshll.u32 v5, $0x7  }
0x10e: {  	v8 =	vand.u32 $0xFFFFE000, v8;
	v9 =	vand.u32 $0x380, v63  }
0x10f: {  	v8 =	vor.u32 v8, v9  }
0x110: {  	s20 =	sadd.s32 $0x4, s20;
	v6 =	vor.u32 v6, v8  }
0x111: {  	p0 =	slt.u32 s20, $0x3C;
	v6 =	vor.u32 v7, v6  }
.Ltmp0:
0x112: {  	_ = 	snop;
	(pc) =	sbr.rel @p0 .LBB2_3-.Ltmp0, $3  }
0x113: {  	_ =	sdelay $0x1  }
0x114: {  	[tilespmem:s22+$0x10] =	vst v5  }
0x115: {  	s23 =	sadd.s32 $0x200, s23;
	s21 =	sadd.s32 $0x40, s21;
	s22 =	sadd.s32 $0x40, s22;
	[tilespmem:v6+s13+$0x0] =	vst.idx.msk $0xffff, v3  }
0x116: {  	s20 =	sshll.u32 s18, $0x1  }
0x117: {  	s20 =	sadd.s32 s5, s20  }
0x118: {  	s20 =	sshll.u32 s20, $0xC  }
0x119: {  	s21 =	sadd.s32 s1, s20;
	s20 =	simm.s32 $0x0  }
0x11a: {  	[hbm4b:s21+s20] =	stream.linear.scatter [tilespmem:s13], [sflag:$0x1], $0x8000, $0x38;
	[tilespmem:$0x18900] =	vst v63  }
0x11b: {  	s21 =	sshllo.u32 s18, $0x1  }
0x11c: {  	_ =	swait.ge [sflag:s16], $0x8000;
	s22 =	sshll.u32 s21, $0x7  }
0x11d: {  	s23 =	simm.s32 $0x18520;
	[sflag:s16] =	ssyncset.done $0x0;
	s24 =	sand.u32 $0x380, s22  }
0x11e: {  	s22 =	simm.s32 $0xFFFFFFFC;
	[sflag:s16] =	ssyncadd.s32 $0xFFFF8000;
	v4 =	vmov s24;
	s24 =	simm.s32 $0x0  }
.LBB2_5:
0x11f: {  	v5 =	vld [tilespmem:s23+$0xFFFFFFE0];
	_ =	sdelay $0x4  }
0x120: {  	v6 =	vmov s20;
	v7 =	vshll.u32 v5, $0xA;
	v5 =	vshll.u32 v5, $0x7  }
0x121: {  	v6 =	vshll.u32 v6, $0x3;
	v7 =	vand.u32 $0xFFFFE000, v7;
	v5 =	vand.u32 $0x380, v5  }
0x122: {  	v8 =	vor.u32 s20, v1;
	v6 =	vand.u32 $0x1C00, v6;
	v5 =	vor.u32 v7, v5  }
0x123: {  	v7 =	vand.u32 $0x4F, v8;
	v5 =	vor.u32 v6, v5  }
0x124: {  	v5 =	vor.u32 v7, v5;
	_ =	sdelay $0x2  }
0x125: {  	s25 =	sand.u32 $0x1C00, s24  }
0x126: {  	s26 =	sand.u32 $0x40, s20;
	s25 =	sadd.s32 s25, s19  }
0x127: {  	s26 =	sadd.s32 s26, s25;
	[tilespmem:v5+s14+$0x0] =	vst.idx.msk $0xffff, v2  }
0x128: {  	v5 =	vld.idx.msk [tilespmem:v4+s26+$0x0 ss:$0x1], $0xffff;
	_ =	sdelay $0x4  }
0x129: {  	v50 =	vadd.f32 $3.250000000e+00, v5;
	_ =	sdelay $0x1  }
0x12a: {  	v8 =	vmul.f32 $1.600000000e+01, v50;
	_ =	sdelay $0x1  }
0x12b: {  	v8 =	vtrunc.f32 v8  }
0x12c: {  	v8 =	vcvt.f32.s32 v8;
	_ =	sdelay $0x1  }
0x12d: {  	vm0 =	vgt.s32 v8, $0x0  }
0x12e: {  	v8 =	vnsel vm0, $0x0, v8  }
0x12f: {  	v8 =	vmin.u32 v8, $0x7F;
	_ =	sdelay $0x4  }
0x130: {  	v9 =	vld.idx.msk [tilespmem:v8+s12+$0x0], $0xffff;
	_ =	sdelay $0x1  }
0x131: {  	v8 =	vld.idx.msk [tilespmem:v8+s10+$0x0], $0xffff;
	_ =	sdelay $0x2  }
0x132: {  	vm9 =	vle.f32 v5, v9  }
0x133: {  	v5 =	vsel vm9, $0x1, v0  }
0x134: {  	v5 =	vadd.s32 v5, v8  }
0x135: {  	v8 =	vshll.u32 v5, $0xA;
	v51 =	vshll.u32 v5, $0x7  }
0x136: {  	v8 =	vand.u32 $0xFFFFE000, v8;
	v9 =	vand.u32 $0x380, v51  }
0x137: {  	v8 =	vor.u32 v8, v9  }
0x138: {  	v6 =	vor.u32 v6, v8  }
0x139: {  	v6 =	vor.u32 v7, v6;
	_ =	sdelay $0x3  }
0x13a: {  	[tilespmem:s23+$0xFFFFFFE0] =	vst v5  }
0x13b: {  	[tilespmem:v6+s14+$0x0] =	vst.idx.msk $0xffff, v3  }
0x13c: {  	v5 =	vld [tilespmem:s23+$0xFFFFFFF0];
	_ =	sdelay $0x3  }
0x13d: {  	s29 =	sadd.s32 $0x10, s20  }
0x13e: {  	v6 =	vmov s29;
	v7 =	vshll.u32 v5, $0xA;
	v5 =	vshll.u32 v5, $0x7  }
0x13f: {  	v6 =	vshll.u32 v6, $0x3;
	v7 =	vand.u32 $0xFFFFE000, v7;
	v5 =	vand.u32 $0x380, v5  }
0x140: {  	v52 =	vor.u32 s29, v1;
	v6 =	vand.u32 $0x1C00, v6;
	v5 =	vor.u32 v7, v5  }
0x141: {  	v7 =	vand.u32 $0x5F, v52;
	v5 =	vor.u32 v6, v5  }
0x142: {  	v5 =	vor.u32 v7, v5;
	_ =	sdelay $0x3  }
0x143: {  	s26 =	sand.u32 $0x50, s29  }
0x144: {  	s26 =	sadd.s32 s26, s25;
	[tilespmem:v5+s14+$0x0] =	vst.idx.msk $0xffff, v2  }
0x145: {  	v5 =	vld.idx.msk [tilespmem:v4+s26+$0x0 ss:$0x1], $0xffff;
	_ =	sdelay $0x4  }
0x146: {  	v53 =	vadd.f32 $3.250000000e+00, v5;
	_ =	sdelay $0x1  }
0x147: {  	v8 =	vmul.f32 $1.600000000e+01, v53;
	_ =	sdelay $0x1  }
0x148: {  	v8 =	vtrunc.f32 v8  }
0x149: {  	v8 =	vcvt.f32.s32 v8;
	_ =	sdelay $0x1  }
0x14a: {  	vm10 =	vgt.s32 v8, $0x0  }
0x14b: {  	v8 =	vnsel vm10, $0x0, v8  }
0x14c: {  	v8 =	vmin.u32 v8, $0x7F;
	_ =	sdelay $0x4  }
0x14d: {  	v54 =	vld.idx.msk [tilespmem:v8+s12+$0x0], $0xffff;
	_ =	sdelay $0x1  }
0x14e: {  	v8 =	vld.idx.msk [tilespmem:v8+s10+$0x0], $0xffff;
	_ =	sdelay $0x2  }
0x14f: {  	vm11 =	vle.f32 v5, v54  }
0x150: {  	v5 =	vsel vm11, $0x1, v0  }
0x151: {  	v5 =	vadd.s32 v5, v8  }
0x152: {  	v8 =	vshll.u32 v5, $0xA;
	v55 =	vshll.u32 v5, $0x7  }
0x153: {  	v8 =	vand.u32 $0xFFFFE000, v8;
	v9 =	vand.u32 $0x380, v55  }
0x154: {  	v8 =	vor.u32 v8, v9  }
0x155: {  	v6 =	vor.u32 v6, v8  }
0x156: {  	v6 =	vor.u32 v7, v6;
	_ =	sdelay $0x3  }
0x157: {  	[tilespmem:s23+$0xFFFFFFF0] =	vst v5  }
0x158: {  	[tilespmem:v6+s14+$0x0] =	vst.idx.msk $0xffff, v3  }
0x159: {  	v5 =	vld [tilespmem:s23+$0x0];
	_ =	sdelay $0x3  }
0x15a: {  	s30 =	sadd.s32 $0x20, s20  }
0x15b: {  	v6 =	vmov s30;
	v7 =	vshll.u32 v5, $0xA;
	v5 =	vshll.u32 v5, $0x7  }
0x15c: {  	v6 =	vshll.u32 v6, $0x3;
	v7 =	vand.u32 $0xFFFFE000, v7;
	v5 =	vand.u32 $0x380, v5  }
0x15d: {  	v56 =	vor.u32 s30, v1;
	v6 =	vand.u32 $0x1C00, v6;
	v5 =	vor.u32 v7, v5  }
0x15e: {  	v7 =	vand.u32 $0x6F, v56;
	v5 =	vor.u32 v6, v5  }
0x15f: {  	v5 =	vor.u32 v7, v5;
	_ =	sdelay $0x3  }
0x160: {  	s26 =	sand.u32 $0x60, s30  }
0x161: {  	s26 =	sadd.s32 s26, s25;
	[tilespmem:v5+s14+$0x0] =	vst.idx.msk $0xffff, v2  }
0x162: {  	v5 =	vld.idx.msk [tilespmem:v4+s26+$0x0 ss:$0x1], $0xffff;
	_ =	sdelay $0x4  }
0x163: {  	v57 =	vadd.f32 $3.250000000e+00, v5;
	_ =	sdelay $0x1  }
0x164: {  	v8 =	vmul.f32 $1.600000000e+01, v57;
	_ =	sdelay $0x1  }
0x165: {  	v8 =	vtrunc.f32 v8  }
0x166: {  	v8 =	vcvt.f32.s32 v8;
	_ =	sdelay $0x1  }
0x167: {  	vm12 =	vgt.s32 v8, $0x0  }
0x168: {  	v8 =	vnsel vm12, $0x0, v8  }
0x169: {  	v8 =	vmin.u32 v8, $0x7F;
	_ =	sdelay $0x4  }
0x16a: {  	v58 =	vld.idx.msk [tilespmem:v8+s12+$0x0], $0xffff;
	_ =	sdelay $0x1  }
0x16b: {  	v8 =	vld.idx.msk [tilespmem:v8+s10+$0x0], $0xffff;
	_ =	sdelay $0x2  }
0x16c: {  	vm13 =	vle.f32 v5, v58  }
0x16d: {  	v5 =	vsel vm13, $0x1, v0  }
0x16e: {  	v5 =	vadd.s32 v5, v8  }
0x16f: {  	v8 =	vshll.u32 v5, $0xA;
	v59 =	vshll.u32 v5, $0x7  }
0x170: {  	v8 =	vand.u32 $0xFFFFE000, v8;
	v9 =	vand.u32 $0x380, v59  }
0x171: {  	v8 =	vor.u32 v8, v9  }
0x172: {  	v6 =	vor.u32 v6, v8  }
0x173: {  	v6 =	vor.u32 v7, v6;
	_ =	sdelay $0x3  }
0x174: {  	[tilespmem:s23+$0x0] =	vst v5  }
0x175: {  	[tilespmem:v6+s14+$0x0] =	vst.idx.msk $0xffff, v3  }
0x176: {  	v5 =	vld [tilespmem:s23+$0x10];
	_ =	sdelay $0x3  }
0x177: {  	s31 =	sadd.s32 $0x30, s20  }
0x178: {  	v6 =	vmov s31;
	v7 =	vshll.u32 v5, $0xA;
	v5 =	vshll.u32 v5, $0x7  }
0x179: {  	v6 =	vshll.u32 v6, $0x3;
	v7 =	vand.u32 $0xFFFFE000, v7;
	v5 =	vand.u32 $0x380, v5  }
0x17a: {  	v60 =	vor.u32 s31, v1;
	v6 =	vand.u32 $0x1C00, v6;
	v5 =	vor.u32 v7, v5  }
0x17b: {  	v7 =	vand.u32 $0x7F, v60;
	v5 =	vor.u32 v6, v5  }
0x17c: {  	v5 =	vor.u32 v7, v5;
	_ =	sdelay $0x3  }
0x17d: {  	s26 =	sand.u32 $0x70, s31  }
0x17e: {  	s25 =	sadd.s32 s26, s25;
	[tilespmem:v5+s14+$0x0] =	vst.idx.msk $0xffff, v2  }
0x17f: {  	v5 =	vld.idx.msk [tilespmem:v4+s25+$0x0 ss:$0x1], $0xffff;
	_ =	sdelay $0x4  }
0x180: {  	v61 =	vadd.f32 $3.250000000e+00, v5;
	_ =	sdelay $0x1  }
0x181: {  	v8 =	vmul.f32 $1.600000000e+01, v61;
	_ =	sdelay $0x1  }
0x182: {  	v8 =	vtrunc.f32 v8  }
0x183: {  	v8 =	vcvt.f32.s32 v8;
	_ =	sdelay $0x1  }
0x184: {  	vm14 =	vgt.s32 v8, $0x0  }
0x185: {  	v8 =	vnsel vm14, $0x0, v8  }
0x186: {  	v8 =	vmin.u32 v8, $0x7F;
	_ =	sdelay $0x4  }
0x187: {  	v62 =	vld.idx.msk [tilespmem:v8+s12+$0x0], $0xffff;
	_ =	sdelay $0x1  }
0x188: {  	v8 =	vld.idx.msk [tilespmem:v8+s10+$0x0], $0xffff;
	_ =	sdelay $0x2  }
0x189: {  	vm15 =	vle.f32 v5, v62  }
0x18a: {  	v5 =	vsel vm15, $0x1, v0  }
0x18b: {  	v5 =	vadd.s32 v5, v8  }
0x18c: {  	v8 =	vshll.u32 v5, $0xA;
	v63 =	vshll.u32 v5, $0x7  }
0x18d: {  	v8 =	vand.u32 $0xFFFFE000, v8;
	v9 =	vand.u32 $0x380, v63  }
0x18e: {  	v8 =	vor.u32 v8, v9  }
0x18f: {  	s22 =	sadd.s32 $0x4, s22;
	v6 =	vor.u32 v6, v8  }
0x190: {  	p0 =	slt.u32 s22, $0x3C;
	v6 =	vor.u32 v7, v6  }
.Ltmp1:
0x191: {  	_ = 	snop;
	(pc) =	sbr.rel @p0 .LBB2_5-.Ltmp1, $3  }
0x192: {  	_ =	sdelay $0x1  }
0x193: {  	[tilespmem:s23+$0x10] =	vst v5  }
0x194: {  	s24 =	sadd.s32 $0x200, s24;
	s20 =	sadd.s32 $0x40, s20;
	s23 =	sadd.s32 $0x40, s23;
	[tilespmem:v6+s14+$0x0] =	vst.idx.msk $0xffff, v3  }
0x195: {  	s18 =	sadd.s32 $0x1, s18  }
0x196: {  	p0 =	sne.s32 s18, $0x10  }
.Ltmp2:
0x197: {  	_ = 	snop;
	(pc) =	sbr.rel @p0 .LBB2_2-.Ltmp2, $4  }
0x198: {  	s19 =	sadd.s32 s5, s21  }
0x199: {  	s19 =	sshll.u32 s19, $0xC  }
0x19a: {  	s19 =	sadd.s32 s1, s19  }
0x19b: {  	[hbm4b:s19+s3] =	stream.linear.scatter [tilespmem:s14], [sflag:$0x2], $0x8000, $0x38;
	[tilespmem:$0x18900] =	vst v63  }
0x19c: {  	s17 =	sadd.s32 $0x1, s17  }
0x19d: {  	_ =	swait.ge [sflag:s15], $0x8000;
	p0 =	sne.s32 s17, s9  }
.Ltmp3:
0x19e: {  	[sflag:s15] =	ssyncset.done $0x0;
	(pc) =	sbr.rel @p0 .LBB2_1-.Ltmp3, $4  }
0x19f: {  	[sflag:s15] =	ssyncadd.s32 $0xFFFF8000  }
0x1a0: {  	_ =	swait.ge [sflag:s16], $0x8000  }
0x1a1: {  	[sflag:s16] =	ssyncset.done $0x0  }
0x1a2: {  	[sflag:s16] =	ssyncadd.s32 $0xFFFF8000  }
0x1a3: {  	_ =	sfence.sel $0x180000  }
0x1a4: {  	[bflag:$0x0] =	sbarrier.arrive $0xFFFF  }
0x1a5: {  	p0 =	sne.s32 s2, $0x0;
	_ =	strace $0x90000047  }
0x1a6: {  	s0 =	sadd.s32 @!p0 $0x100000, s0;
	[bflag:$0x2] =	sbarrier.arrive $0xFFFF  }
0x1a7: {  	[sflag:s0] =	ssyncadd.tile.s32 @!p0 $0x1;
	_ =	shalt  }
.Lfunc_end2:
_tile_overlayer_lowered:
.L_overlay_start_2:
0x1a8: {  	(tag) =	ssettag $0x2  }
0x1a9: {  	s0 =	rddreg [dreg:$0x0];
	s2 =	stileid.u32  }
0x1aa: {  	s1 =	rddreg [dreg:$0x1];
	p0 =	sne.s32 s2, $0x0  }
0x1ab: {  	s3 =	rddreg [dreg:$0x2];
	[bflag:$0x3] =	sbarrier.arrive $0xFFFF;
	s2 =	simm.s32 @!p0 $0x1C03  }
0x1ac: {  	[timem:s3], [sflag:s2] =	dma.local @!p0 [hbm:s0], s1  }
0x1ad: {  	s0 =	simm.s32 @!p0 $0x3  }
0x1ae: {  	_ =	swait.ge @!p0 [sflag:s0], s1  }
0x1af: {  	s1 =	ssub.s32 @!p0 $0x0, s1;
	[sflag:s0] =	ssyncset.done @!p0 $0x0  }
0x1b0: {  	[sflag:s0] =	ssyncadd.s32 @!p0 s1  }
0x1b1: {  	[bflag:$0x3] =	sbarrier.arrive $0xFFFF  }
0x1b2: {  	_ =	shalt  }

</sc_bundles>
